<compile_context>
chip_gen: v7x
topology: tpu7x:2x2x1
jax: 0.10.2.dev20260603
libtpu: 0.0.44.dev20260713+nightly
codegen_flags: <defaults>
</compile_context>

<pallas_src>
import jax
import jax.numpy as jnp
from jax import lax
from jax.experimental import pallas as pl
from jax.experimental.pallas import tpu as pltpu
from jax.experimental.pallas import tpu_sc as plsc

N = 50000
E = 800000
HP = 64
NT = 32
HALF = 25000
TROWS = 25600
TSLICE = TROWS // 16
WB = 56
GA = 40
GB = 40
def _sc_weave(x12, ii, jj, ids2, pae):
  mesh = plsc.VectorSubcoreMesh(core_axis_name="c", subcore_axis_name="s")

  def body(x12_h, ii_h, jj_h, ids_h, pae_h, iota_h, zeros_h, s_h, pa_h,
           idx_i0, idx_j0, buf_a0, buf_b0, idx_i1, idx_j1, buf_a1, buf_b1,
           sbuf, idx_b, paebuf, idx_b1, paebuf1, table, sem_a, sem_b):
    c = lax.axis_index("c")
    s = lax.axis_index("s")
    w = s * 2 + c
    ebase = w * (E // NT)

    def fire(kv, idx_i, idx_j, buf_a, buf_b, sem):
      base = ebase + kv * GA
      pltpu.sync_copy(ii_h.at[pl.ds(base, GA)], idx_i)
      pltpu.sync_copy(jj_h.at[pl.ds(base, GA)], idx_j)
      pltpu.async_copy(x12_h.at[idx_i], buf_a, sem)
      pltpu.async_copy(x12_h.at[idx_j], buf_b, sem)

    def drain(idx_i, idx_j, buf_a, buf_b, sem):
      pltpu.make_async_copy(x12_h.at[idx_i], buf_a, sem).wait()
      pltpu.make_async_copy(x12_h.at[idx_j], buf_b, sem).wait()

    def compute_store(kv, buf_a, buf_b):
      def row(r, _):
        for q in range(HP // 16):
          lo = q * 16
          hi = HP + q * 16
          a1 = buf_a[r, pl.ds(lo, 16)]
          a2 = buf_a[r, pl.ds(hi, 16)]
          b1 = buf_b[r, pl.ds(lo, 16)]
          b2 = buf_b[r, pl.ds(hi, 16)]
          sbuf[r, pl.ds(lo, 16)] = (jnp.maximum(a1 + b2, 0.0)
                                    + jnp.maximum(b1 + a2, 0.0))
        return 0

      lax.fori_loop(0, GA, row, 0)
      pltpu.sync_copy(sbuf, s_h.at[pl.ds(ebase + kv * GA, GA)])

    nch = (E // NT) // GA
    fire(0, idx_i0, idx_j0, buf_a0, buf_b0, sem_a)

    def chunk_pair(t, _):
      fire(2 * t + 1, idx_i1, idx_j1, buf_a1, buf_b1, sem_b)
      drain(idx_i0, idx_j0, buf_a0, buf_b0, sem_a)
      compute_store(2 * t, buf_a0, buf_b0)
      fire(2 * t + 2, idx_i0, idx_j0, buf_a0, buf_b0, sem_a)
      drain(idx_i1, idx_j1, buf_a1, buf_b1, sem_b)
      compute_store(2 * t + 1, buf_a1, buf_b1)
      return 0

    lax.fori_loop(0, nch // 2, chunk_pair, 0)
    drain(idx_i0, idx_j0, buf_a0, buf_b0, sem_a)
    compute_store(nch - 1, buf_a0, buf_b0)

    def phase_b():
      pltpu.sync_copy(zeros_h, paebuf)

      def zchunk(z, _):
        off = s * TSLICE + z * GB
        pltpu.sync_copy(iota_h.at[pl.ds(off, GB)], idx_b)
        pltpu.sync_copy(paebuf, table.at[idx_b])
        return 0

      lax.fori_loop(0, TSLICE // GB, zchunk, 0)
      plsc.subcore_barrier()

      nchb = (E // 16) // GB

      def fire_b(kv, idxb, buf, sem):
        @pl.when(kv < nchb)
        def _():
          base = s * (E // 16) + kv * GB
          pltpu.sync_copy(ids_h.at[pl.ds(c * E + base, GB)], idxb)
          pltpu.async_copy(pae_h.at[pl.ds(base, GB)], buf, sem)

      def scatter_b(idxb, buf, sem):
        pltpu.make_async_copy(pae_h.at[pl.ds(0, GB)], buf, sem).wait()
        pltpu.sync_copy(buf, table.at[idxb], add=True)

      fire_b(0, idx_b, paebuf, sem_a)

      def pair_b(t, _):
        fire_b(2 * t + 1, idx_b1, paebuf1, sem_b)
        scatter_b(idx_b, paebuf, sem_a)
        fire_b(2 * t + 2, idx_b, paebuf, sem_a)
        scatter_b(idx_b1, paebuf1, sem_b)
        return 0

      lax.fori_loop(0, nchb // 2, pair_b, 0)
      plsc.subcore_barrier()

      def out_chunk(k, _):
        off = s * TSLICE + k * GB
        pltpu.sync_copy(iota_h.at[pl.ds(off, GB)], idx_b)
        pltpu.sync_copy(table.at[idx_b], paebuf)
        pltpu.sync_copy(paebuf, pa_h.at[pl.ds(c * TROWS + off, GB)])
        return 0

      lax.fori_loop(0, TSLICE // GB, out_chunk, 0)

    phase_b()

  f = pl.kernel(
      body,
      out_type=(jax.ShapeDtypeStruct((E, HP), jnp.float32),
                jax.ShapeDtypeStruct((2 * TROWS, WB), jnp.float32)),
      mesh=mesh,
      scratch_types=[
          pltpu.VMEM((GA,), jnp.int32),
          pltpu.VMEM((GA,), jnp.int32),
          pltpu.VMEM((GA, 2 * HP), jnp.float32),
          pltpu.VMEM((GA, 2 * HP), jnp.float32),
          pltpu.VMEM((GA,), jnp.int32),
          pltpu.VMEM((GA,), jnp.int32),
          pltpu.VMEM((GA, 2 * HP), jnp.float32),
          pltpu.VMEM((GA, 2 * HP), jnp.float32),
          pltpu.VMEM((GA, HP), jnp.float32),
          pltpu.VMEM((GB,), jnp.int32),
          pltpu.VMEM((GB, WB), jnp.float32),
          pltpu.VMEM((GB,), jnp.int32),
          pltpu.VMEM((GB, WB), jnp.float32),
          pltpu.VMEM_SHARED((TROWS, WB), jnp.float32),
          pltpu.SemaphoreType.DMA,
          pltpu.SemaphoreType.DMA,
      ],
  )
  iota_t = jnp.arange(TROWS, dtype=jnp.int32)
  zeros_t = jnp.zeros((GB, WB), jnp.float32)
  return f(x12, ii, jj, ids2, pae, iota_t, zeros_t)


def _tc_x12(atom, wcat, b1):
  BN = 400

  def body(a_ref, w_ref, b_ref, o_ref):
    o_ref[...] = jnp.dot(a_ref[...], w_ref[...],
                         preferred_element_type=jnp.float32) + b_ref[...]

  return pl.pallas_call(
      body,
      grid=(N // BN,),
      in_specs=[pl.BlockSpec((BN, 75), lambda n: (n, 0)),
                pl.BlockSpec((75, 2 * HP), lambda n: (0, 0)),
                pl.BlockSpec((1, 2 * HP), lambda n: (0, 0))],
      out_specs=pl.BlockSpec((BN, 2 * HP), lambda n: (n, 0)),
      out_shape=jax.ShapeDtypeStruct((N, 2 * HP), jnp.float32),
  )(atom, wcat, b1)


def _tc_pae(pair, w, b):
  BE = 2000

  def body(p_ref, w_ref, b_ref, o_ref):
    o_ref[...] = jnp.maximum(
        jnp.dot(p_ref[...], w_ref[...],
                preferred_element_type=jnp.float32) + b_ref[...], 0.0)

  return pl.pallas_call(
      body,
      grid=(E // BE,),
      in_specs=[pl.BlockSpec((BE, 16), lambda n: (n, 0)),
                pl.BlockSpec((16, WB), lambda n: (0, 0)),
                pl.BlockSpec((1, WB), lambda n: (0, 0))],
      out_specs=pl.BlockSpec((BE, WB), lambda n: (n, 0)),
      out_shape=jax.ShapeDtypeStruct((E, WB), jnp.float32),
  )(pair, w, b)


def _tc_pair_out(pair, s_arr, wpp, bpp, wp1, wp2, bp):
  BE = 2000
  H = 50

  def body(p_ref, s_ref, wpp_ref, bpp_ref, wp1_ref, wp2_ref, bp_ref, o_ref):
    pp = jnp.maximum(
        jnp.dot(p_ref[...], wpp_ref[...],
                preferred_element_type=jnp.float32) + bpp_ref[...], 0.0)
    acc = jnp.dot(s_ref[...], wp1_ref[...], preferred_element_type=jnp.float32)
    acc = acc + jnp.dot(pp, wp2_ref[...], preferred_element_type=jnp.float32)
    o_ref[...] = jnp.maximum(acc + bp_ref[...], 0.0)

  return pl.pallas_call(
      body,
      grid=(E // BE,),
      in_specs=[pl.BlockSpec((BE, 16), lambda n: (n, 0)),
                pl.BlockSpec((BE, HP), lambda n: (n, 0)),
                pl.BlockSpec((16, H), lambda n: (0, 0)),
                pl.BlockSpec((1, H), lambda n: (0, 0)),
                pl.BlockSpec((HP, H), lambda n: (0, 0)),
                pl.BlockSpec((H, H), lambda n: (0, 0)),
                pl.BlockSpec((1, H), lambda n: (0, 0))],
      out_specs=pl.BlockSpec((BE, H), lambda n: (n, 0)),
      out_shape=jax.ShapeDtypeStruct((E, H), jnp.float32),
  )(pair, s_arr, wpp, bpp, wp1, wp2, bp)


def _tc_atom_out(atom, pa, waa, baa, wa1, wa2, ba):
  BN = 200
  H = 50
  blocks_per_half = HALF // BN
  half_stride = TROWS // BN

  def body(a_ref, pa_ref, waa_ref, baa_ref, wa1_ref, wa2_ref, ba_ref, o_ref):
    aa = jnp.maximum(
        jnp.dot(a_ref[...], waa_ref[...],
                preferred_element_type=jnp.float32) + baa_ref[...], 0.0)
    acc = jnp.dot(aa, wa1_ref[...], preferred_element_type=jnp.float32)
    acc = acc + jnp.dot(pa_ref[...], wa2_ref[...],
                        preferred_element_type=jnp.float32)
    o_ref[...] = jnp.maximum(acc + ba_ref[...], 0.0)

  return pl.pallas_call(
      body,
      grid=(N // BN,),
      in_specs=[pl.BlockSpec((BN, 75), lambda n: (n, 0)),
                pl.BlockSpec(
                    (BN, WB),
                    lambda n: (half_stride * (n // blocks_per_half)
                               + n % blocks_per_half, 0)),
                pl.BlockSpec((75, H), lambda n: (0, 0)),
                pl.BlockSpec((1, H), lambda n: (0, 0)),
                pl.BlockSpec((H, H), lambda n: (0, 0)),
                pl.BlockSpec((WB, H), lambda n: (0, 0)),
                pl.BlockSpec((1, H), lambda n: (0, 0))],
      out_specs=pl.BlockSpec((BN, H), lambda n: (n, 0)),
      out_shape=jax.ShapeDtypeStruct((N, H), jnp.float32),
  )(atom, pa, waa, baa, wa1, wa2, ba)


def kernel(atom_features, pair_features, pair_split, atom_to_pair,
           unused1, unused2, W_AA, b_AA, W_PA, b_PA, W_A, b_A,
           W_AP, b_AP, W_PP, b_PP, W_P, b_P):
  f32 = jnp.float32
  D_A = atom_features.shape[1]
  H = W_AA.shape[1]

  w1 = jnp.zeros((D_A, HP), f32).at[:, :H].set(W_AP[:D_A])
  w2 = jnp.zeros((D_A, HP), f32).at[:, :H].set(W_AP[D_A:])
  wcat = jnp.concatenate([w1, w2], axis=1)
  b1 = jnp.zeros((1, 2 * HP), f32).at[0, :H].set(b_AP)
  wpa = jnp.zeros((W_PA.shape[0], WB), f32).at[:, :H].set(W_PA)
  bpa = jnp.zeros((1, WB), f32).at[0, :H].set(b_PA)
  wp1 = jnp.zeros((HP, H), f32).at[:H].set(W_P[:H])
  wa2 = jnp.zeros((WB, H), f32).at[:H].set(W_A[H:])

  ii = atom_to_pair[:, 0].astype(jnp.int32)
  jj = atom_to_pair[:, 1].astype(jnp.int32)
  ids = pair_split.astype(jnp.int32)

  x12 = _tc_x12(atom_features, wcat, b1)
  pae = _tc_pae(pair_features, wpa, bpa)
  ids2 = jnp.stack([ids, ids - HALF])
  ids2 = jnp.where((ids2 >= 0) & (ids2 < HALF), ids2, HALF).reshape(2 * E)
  s_arr, pa_arr = _sc_weave(x12, ii, jj, ids2, pae)

  P = _tc_pair_out(pair_features, s_arr, W_PP, b_PP[None], wp1,
                   W_P[H:], b_P[None])
  A = _tc_atom_out(atom_features, pa_arr, W_AA, b_AA[None], W_A[:H],
                   wa2, b_A[None])
  return (A, P)

# --- scband reference (transcript-rebuilt; emitter-appended) ---
"""Pipeline reference for scband-weave-layer-47725676593202 (READ-ONLY COPY).

The authoritative reference and input builder live on the scoring server;
editing this copy changes nothing except your own understanding.
"""

import jax, jax.numpy as jnp
import numpy as np

N = 50000
E = 800000
D_A = 75
D_P = 16
H = 50


def setup_inputs(seed: int = 0) -> dict:
    key = jax.random.key(seed)
    ks = jax.random.split(key, 16)
    inp = {}
    inp["atom_features"] = jax.random.normal(ks[0], (N, D_A), dtype=jnp.float32)
    inp["pair_features"] = jax.random.normal(ks[1], (E, D_P), dtype=jnp.float32)
    inp["pair_split"] = jnp.sort(jax.random.randint(ks[2], (E,), 0, N))
    inp["atom_to_pair"] = jax.random.randint(ks[3], (E, 2), 0, N)
    inp["unused1"] = jnp.zeros((1,), dtype=jnp.int32)
    inp["unused2"] = jnp.zeros((1,), dtype=jnp.int32)
    s = 0.1
    inp["W_AA"] = jax.random.normal(ks[4], (D_A, H), dtype=jnp.float32) * s
    inp["b_AA"] = jax.random.normal(ks[5], (H,), dtype=jnp.float32) * 0.01
    inp["W_PA"] = jax.random.normal(ks[6], (D_P, H), dtype=jnp.float32) * s
    inp["b_PA"] = jax.random.normal(ks[7], (H,), dtype=jnp.float32) * 0.01
    inp["W_A"] = jax.random.normal(ks[8], (2 * H, H), dtype=jnp.float32) * s
    inp["b_A"] = jax.random.normal(ks[9], (H,), dtype=jnp.float32) * 0.01
    inp["W_AP"] = jax.random.normal(ks[10], (2 * D_A, H), dtype=jnp.float32) * s
    inp["b_AP"] = jax.random.normal(ks[11], (H,), dtype=jnp.float32) * 0.01
    inp["W_PP"] = jax.random.normal(ks[12], (D_P, H), dtype=jnp.float32) * s
    inp["b_PP"] = jax.random.normal(ks[13], (H,), dtype=jnp.float32) * 0.01
    inp["W_P"] = jax.random.normal(ks[14], (2 * H, H), dtype=jnp.float32) * s
    inp["b_P"] = jax.random.normal(ks[15], (H,), dtype=jnp.float32) * 0.01
    return inp


def reference(atom_features, pair_features, pair_split, atom_to_pair, unused1, unused2,
              W_AA, b_AA, W_PA, b_PA, W_A, b_A, W_AP, b_AP, W_PP, b_PP, W_P, b_P):
    n_atoms = atom_features.shape[0]
    # atom -> atom
    AA = jax.nn.relu(atom_features @ W_AA + b_AA)
    # pair -> atom, scatter-add over pair_split (segment ids)
    PA = jax.nn.relu(pair_features @ W_PA + b_PA)
    PA = jax.ops.segment_sum(PA, pair_split, num_segments=n_atoms)
    A = jax.nn.relu(jnp.concatenate([AA, PA], axis=1) @ W_A + b_A)
    # atom -> pair (gather endpoints of each pair, both orderings)
    ap_ij = atom_features[atom_to_pair].reshape(-1, 2 * atom_features.shape[1])
    AP_ij = jax.nn.relu(ap_ij @ W_AP + b_AP)
    ap_ji = atom_features[atom_to_pair[:, ::-1]].reshape(-1, 2 * atom_features.shape[1])
    AP_ji = jax.nn.relu(ap_ji @ W_AP + b_AP)
    # pair -> pair
    PP = jax.nn.relu(pair_features @ W_PP + b_PP)
    P = jax.nn.relu(jnp.concatenate([AP_ij + AP_ji, PP], axis=1) @ W_P + b_P)
    return (A, P)

if __name__ == "__main__":
    import jax
    _d = setup_inputs()
    print(jax.jit(kernel)(*tuple(_d.values())))

</pallas_src>

<mosaic_0001>
#map = affine_map<(d0, d1) -> (0, 0)>
#map1 = affine_map<(d0, d1) -> (0)>
module attributes {stable_mosaic.version = 14 : i64} {
  func.func @body(%arg0: i32, %arg1: i32, %arg2: memref<50000x128xf32, #tpu.memory_space<hbm>>, %arg3: memref<800000xi32, #tpu.memory_space<hbm>>, %arg4: memref<800000xi32, #tpu.memory_space<hbm>>, %arg5: memref<1600000xi32, #tpu.memory_space<hbm>>, %arg6: memref<800000x56xf32, #tpu.memory_space<hbm>>, %arg7: memref<25600xi32, #tpu.memory_space<hbm>>, %arg8: memref<40x56xf32, #tpu.memory_space<hbm>>, %arg9: memref<800000x64xf32, #tpu.memory_space<hbm>>, %arg10: memref<51200x56xf32, #tpu.memory_space<hbm>>, %arg11: memref<40xi32, #tpu.memory_space<vmem>>, %arg12: memref<40xi32, #tpu.memory_space<vmem>>, %arg13: memref<40x128xf32, #tpu.memory_space<vmem>>, %arg14: memref<40x128xf32, #tpu.memory_space<vmem>>, %arg15: memref<40xi32, #tpu.memory_space<vmem>>, %arg16: memref<40xi32, #tpu.memory_space<vmem>>, %arg17: memref<40x128xf32, #tpu.memory_space<vmem>>, %arg18: memref<40x128xf32, #tpu.memory_space<vmem>>, %arg19: memref<40x64xf32, #tpu.memory_space<vmem>>, %arg20: memref<40xi32, #tpu.memory_space<vmem>>, %arg21: memref<40x56xf32, #tpu.memory_space<vmem>>, %arg22: memref<40xi32, #tpu.memory_space<vmem>>, %arg23: memref<40x56xf32, #tpu.memory_space<vmem>>, %arg24: memref<25600x56xf32, #tpu.memory_space<vmem_shared>>, %arg25: memref<!tpu.dma_semaphore, #tpu.memory_space<semaphore_mem>>, %arg26: memref<!tpu.dma_semaphore, #tpu.memory_space<semaphore_mem>>) attributes {dimension_semantics = [#tpu.dimension_semantics<core_parallel>, #tpu.dimension_semantics<subcore_parallel>], iteration_bounds = array<i64: 2, 16>, scalar_prefetch = 0 : i64, scratch_operands = 16 : i64, tpu.core_type = #tpu.core_type<sc_vector_subcore>, window_params = [{transform_indices = #map}, {transform_indices = #map1}, {transform_indices = #map1}, {transform_indices = #map1}, {transform_indices = #map}, {transform_indices = #map1}, {transform_indices = #map}, {transform_indices = #map}, {transform_indices = #map}]} {
    %mul3A = arith.constant 2 : i32
    %mul3A_0 = arith.muli %arg1, %mul3A : i32
    %add3A = arith.addi %mul3A_0, %arg0 : i32
    %mul3A_1 = arith.constant 25000 : i32
    %mul3A_2 = arith.muli %add3A, %mul3A_1 : i32
    %add3A_3 = arith.constant 0 : i32
    %add3A_4 = arith.addi %mul3A_2, %add3A_3 : i32
    "tpu.region"() ({
      %run_scoped3A = tpu.sem_alloc : memref<!tpu.dma_semaphore, #tpu.memory_space<semaphore_mem>>
      %dma_start3A_63 = tpu.memref_slice %arg3[%add3A_4] : memref<800000xi32, #tpu.memory_space<hbm>> -> memref<40xi32, #tpu.memory_space<hbm>>
      %dma_start3A_64 = tpu.memref_slice %arg3[%add3A_4] : memref<800000xi32, #tpu.memory_space<hbm>> -> memref<40xi32, #tpu.memory_space<hbm>>
      tpu.enqueue_dma source(%dma_start3A_64 : memref<40xi32, #tpu.memory_space<hbm>>) target(%arg11 : memref<40xi32, #tpu.memory_space<vmem>>) target_semaphore(%run_scoped3A : memref<!tpu.dma_semaphore, #tpu.memory_space<semaphore_mem>>)
      %dma_wait3A_65 = tpu.memref_slice %arg3[%add3A_4] : memref<800000xi32, #tpu.memory_space<hbm>> -> memref<40xi32, #tpu.memory_space<hbm>>
      %dma_wait3A_66 = tpu.memref_slice %arg3[%add3A_4] : memref<800000xi32, #tpu.memory_space<hbm>> -> memref<40xi32, #tpu.memory_space<hbm>>
      tpu.wait_dma2 semaphore(%run_scoped3A : memref<!tpu.dma_semaphore, #tpu.memory_space<semaphore_mem>>) src(%dma_wait3A_66 : memref<40xi32, #tpu.memory_space<hbm>>) dst(%arg11 : memref<40xi32, #tpu.memory_space<vmem>>)
      tpu.yield
    }) : () -> ()
    "tpu.region"() ({
      %run_scoped3A = tpu.sem_alloc : memref<!tpu.dma_semaphore, #tpu.memory_space<semaphore_mem>>
      %dma_start3A_63 = tpu.memref_slice %arg4[%add3A_4] : memref<800000xi32, #tpu.memory_space<hbm>> -> memref<40xi32, #tpu.memory_space<hbm>>
      %dma_start3A_64 = tpu.memref_slice %arg4[%add3A_4] : memref<800000xi32, #tpu.memory_space<hbm>> -> memref<40xi32, #tpu.memory_space<hbm>>
      tpu.enqueue_dma source(%dma_start3A_64 : memref<40xi32, #tpu.memory_space<hbm>>) target(%arg12 : memref<40xi32, #tpu.memory_space<vmem>>) target_semaphore(%run_scoped3A : memref<!tpu.dma_semaphore, #tpu.memory_space<semaphore_mem>>)
      %dma_wait3A_65 = tpu.memref_slice %arg4[%add3A_4] : memref<800000xi32, #tpu.memory_space<hbm>> -> memref<40xi32, #tpu.memory_space<hbm>>
      %dma_wait3A_66 = tpu.memref_slice %arg4[%add3A_4] : memref<800000xi32, #tpu.memory_space<hbm>> -> memref<40xi32, #tpu.memory_space<hbm>>
      tpu.wait_dma2 semaphore(%run_scoped3A : memref<!tpu.dma_semaphore, #tpu.memory_space<semaphore_mem>>) src(%dma_wait3A_66 : memref<40xi32, #tpu.memory_space<hbm>>) dst(%arg12 : memref<40xi32, #tpu.memory_space<vmem>>)
      tpu.yield
    }) : () -> ()
    %dma_start3A = arith.constant 0 : i32
    %dma_start3A_5 = arith.constant 0 : i32
    %dma_start3A_6 = tpu.memref_slice %arg2[%dma_start3A, %dma_start3A_5] : memref<50000x128xf32, #tpu.memory_space<hbm>> -> memref<50000x128xf32, #tpu.memory_space<hbm>>
    tpu.enqueue_indirect_dma source(%dma_start3A_6 : memref<50000x128xf32, #tpu.memory_space<hbm>>) target(%arg13 : memref<40x128xf32, #tpu.memory_space<vmem>>) offsets(%arg11 : memref<40xi32, #tpu.memory_space<vmem>>) semaphore(%arg25 : memref<!tpu.dma_semaphore, #tpu.memory_space<semaphore_mem>>)
    %dma_start3A_7 = arith.constant 0 : i32
    %dma_start3A_8 = arith.constant 0 : i32
    %dma_start3A_9 = tpu.memref_slice %arg2[%dma_start3A_7, %dma_start3A_8] : memref<50000x128xf32, #tpu.memory_space<hbm>> -> memref<50000x128xf32, #tpu.memory_space<hbm>>
    tpu.enqueue_indirect_dma source(%dma_start3A_9 : memref<50000x128xf32, #tpu.memory_space<hbm>>) target(%arg14 : memref<40x128xf32, #tpu.memory_space<vmem>>) offsets(%arg12 : memref<40xi32, #tpu.memory_space<vmem>>) semaphore(%arg25 : memref<!tpu.dma_semaphore, #tpu.memory_space<semaphore_mem>>)
    %scan3A = arith.constant 0 : i32
    %scan3A_10 = arith.constant 0 : i32
    %scan3A_11 = arith.constant 312 : i32
    %scan3A_12 = arith.addi %scan3A_10, %scan3A_11 : i32
    %scan3A_13 = arith.constant 1 : i32
    %scan3A_14 = scf.for %scan3A_63 = %scan3A_10 to %scan3A_12 step %scan3A_13 iter_args(%scan3A_64 = %scan3A) -> (i32)  : i32 {
      %mul3A_65 = arith.constant 2 : i32
      %mul3A_66 = arith.muli %mul3A_65, %scan3A_63 : i32
      %add3A_67 = arith.constant 1 : i32
      %add3A_68 = arith.addi %mul3A_66, %add3A_67 : i32
      %mul3A_69 = arith.constant 40 : i32
      %mul3A_70 = arith.muli %add3A_68, %mul3A_69 : i32
      %add3A_71 = arith.addi %mul3A_2, %mul3A_70 : i32
      "tpu.region"() ({
        %run_scoped3A = tpu.sem_alloc : memref<!tpu.dma_semaphore, #tpu.memory_space<semaphore_mem>>
        %dma_start3A_130 = tpu.memref_slice %arg3[%add3A_71] : memref<800000xi32, #tpu.memory_space<hbm>> -> memref<40xi32, #tpu.memory_space<hbm>>
        %dma_start3A_131 = tpu.memref_slice %arg3[%add3A_71] : memref<800000xi32, #tpu.memory_space<hbm>> -> memref<40xi32, #tpu.memory_space<hbm>>
        tpu.enqueue_dma source(%dma_start3A_131 : memref<40xi32, #tpu.memory_space<hbm>>) target(%arg15 : memref<40xi32, #tpu.memory_space<vmem>>) target_semaphore(%run_scoped3A : memref<!tpu.dma_semaphore, #tpu.memory_space<semaphore_mem>>)
        %dma_wait3A_132 = tpu.memref_slice %arg3[%add3A_71] : memref<800000xi32, #tpu.memory_space<hbm>> -> memref<40xi32, #tpu.memory_space<hbm>>
        %dma_wait3A_133 = tpu.memref_slice %arg3[%add3A_71] : memref<800000xi32, #tpu.memory_space<hbm>> -> memref<40xi32, #tpu.memory_space<hbm>>
        tpu.wait_dma2 semaphore(%run_scoped3A : memref<!tpu.dma_semaphore, #tpu.memory_space<semaphore_mem>>) src(%dma_wait3A_133 : memref<40xi32, #tpu.memory_space<hbm>>) dst(%arg15 : memref<40xi32, #tpu.memory_space<vmem>>)
        tpu.yield
      }) : () -> ()
      "tpu.region"() ({
        %run_scoped3A = tpu.sem_alloc : memref<!tpu.dma_semaphore, #tpu.memory_space<semaphore_mem>>
        %dma_start3A_130 = tpu.memref_slice %arg4[%add3A_71] : memref<800000xi32, #tpu.memory_space<hbm>> -> memref<40xi32, #tpu.memory_space<hbm>>
        %dma_start3A_131 = tpu.memref_slice %arg4[%add3A_71] : memref<800000xi32, #tpu.memory_space<hbm>> -> memref<40xi32, #tpu.memory_space<hbm>>
        tpu.enqueue_dma source(%dma_start3A_131 : memref<40xi32, #tpu.memory_space<hbm>>) target(%arg16 : memref<40xi32, #tpu.memory_space<vmem>>) target_semaphore(%run_scoped3A : memref<!tpu.dma_semaphore, #tpu.memory_space<semaphore_mem>>)
        %dma_wait3A_132 = tpu.memref_slice %arg4[%add3A_71] : memref<800000xi32, #tpu.memory_space<hbm>> -> memref<40xi32, #tpu.memory_space<hbm>>
        %dma_wait3A_133 = tpu.memref_slice %arg4[%add3A_71] : memref<800000xi32, #tpu.memory_space<hbm>> -> memref<40xi32, #tpu.memory_space<hbm>>
        tpu.wait_dma2 semaphore(%run_scoped3A : memref<!tpu.dma_semaphore, #tpu.memory_space<semaphore_mem>>) src(%dma_wait3A_133 : memref<40xi32, #tpu.memory_space<hbm>>) dst(%arg16 : memref<40xi32, #tpu.memory_space<vmem>>)
        tpu.yield
      }) : () -> ()
      %dma_start3A_72 = arith.constant 0 : i32
      %dma_start3A_73 = arith.constant 0 : i32
      %dma_start3A_74 = tpu.memref_slice %arg2[%dma_start3A_72, %dma_start3A_73] : memref<50000x128xf32, #tpu.memory_space<hbm>> -> memref<50000x128xf32, #tpu.memory_space<hbm>>
      tpu.enqueue_indirect_dma source(%dma_start3A_74 : memref<50000x128xf32, #tpu.memory_space<hbm>>) target(%arg17 : memref<40x128xf32, #tpu.memory_space<vmem>>) offsets(%arg15 : memref<40xi32, #tpu.memory_space<vmem>>) semaphore(%arg26 : memref<!tpu.dma_semaphore, #tpu.memory_space<semaphore_mem>>)
      %dma_start3A_75 = arith.constant 0 : i32
      %dma_start3A_76 = arith.constant 0 : i32
      %dma_start3A_77 = tpu.memref_slice %arg2[%dma_start3A_75, %dma_start3A_76] : memref<50000x128xf32, #tpu.memory_space<hbm>> -> memref<50000x128xf32, #tpu.memory_space<hbm>>
      tpu.enqueue_indirect_dma source(%dma_start3A_77 : memref<50000x128xf32, #tpu.memory_space<hbm>>) target(%arg18 : memref<40x128xf32, #tpu.memory_space<vmem>>) offsets(%arg16 : memref<40xi32, #tpu.memory_space<vmem>>) semaphore(%arg26 : memref<!tpu.dma_semaphore, #tpu.memory_space<semaphore_mem>>)
      %dma_wait3A_78 = arith.constant 0 : i32
      %dma_wait3A_79 = arith.constant 0 : i32
      %dma_wait3A_80 = tpu.memref_slice %arg2[%dma_wait3A_78, %dma_wait3A_79] : memref<50000x128xf32, #tpu.memory_space<hbm>> -> memref<50000x128xf32, #tpu.memory_space<hbm>>
      tpu.wait_indirect_dma semaphore(%arg25 : memref<!tpu.dma_semaphore, #tpu.memory_space<semaphore_mem>>) src(%dma_wait3A_80 : memref<50000x128xf32, #tpu.memory_space<hbm>>) dst(%arg13 : memref<40x128xf32, #tpu.memory_space<vmem>>)
      %dma_wait3A_81 = arith.constant 0 : i32
      %dma_wait3A_82 = arith.constant 0 : i32
      %dma_wait3A_83 = tpu.memref_slice %arg2[%dma_wait3A_81, %dma_wait3A_82] : memref<50000x128xf32, #tpu.memory_space<hbm>> -> memref<50000x128xf32, #tpu.memory_space<hbm>>
      tpu.wait_indirect_dma semaphore(%arg25 : memref<!tpu.dma_semaphore, #tpu.memory_space<semaphore_mem>>) src(%dma_wait3A_83 : memref<50000x128xf32, #tpu.memory_space<hbm>>) dst(%arg14 : memref<40x128xf32, #tpu.memory_space<vmem>>)
      %mul3A_84 = arith.constant 2 : i32
      %mul3A_85 = arith.muli %mul3A_84, %scan3A_63 : i32
      %scan3A_86 = arith.constant 0 : i32
      %scan3A_87 = arith.constant 0 : i32
      %scan3A_88 = arith.constant 40 : i32
      %scan3A_89 = arith.addi %scan3A_87, %scan3A_88 : i32
      %scan3A_90 = arith.constant 1 : i32
      %scan3A_91 = scf.for %scan3A_130 = %scan3A_87 to %scan3A_89 step %scan3A_90 iter_args(%scan3A_131 = %scan3A_86) -> (i32)  : i32 {
        %get3A = arith.index_cast %scan3A_130 : i32 to index
        %get3A_132 = arith.constant 0 : index
        %get3A_133 = tpu.vector_load %arg13[%get3A, %get3A_132] {strides = array<i32>} : memref<40x128xf32, #tpu.memory_space<vmem>>, vector<1x16xf32>,
        %get3A_134 = vector.shape_cast %get3A_133 : vector<1x16xf32> to vector<16xf32>
        %get3A_135 = arith.index_cast %scan3A_130 : i32 to index
        %get3A_136 = arith.constant 64 : index
        %get3A_137 = tpu.vector_load %arg13[%get3A_135, %get3A_136] {strides = array<i32>} : memref<40x128xf32, #tpu.memory_space<vmem>>, vector<1x16xf32>,
        %get3A_138 = vector.shape_cast %get3A_137 : vector<1x16xf32> to vector<16xf32>
        %get3A_139 = arith.index_cast %scan3A_130 : i32 to index
        %get3A_140 = arith.constant 0 : index
        %get3A_141 = tpu.vector_load %arg14[%get3A_139, %get3A_140] {strides = array<i32>} : memref<40x128xf32, #tpu.memory_space<vmem>>, vector<1x16xf32>,
        %get3A_142 = vector.shape_cast %get3A_141 : vector<1x16xf32> to vector<16xf32>
        %get3A_143 = arith.index_cast %scan3A_130 : i32 to index
        %get3A_144 = arith.constant 64 : index
        %get3A_145 = tpu.vector_load %arg14[%get3A_143, %get3A_144] {strides = array<i32>} : memref<40x128xf32, #tpu.memory_space<vmem>>, vector<1x16xf32>,
        %get3A_146 = vector.shape_cast %get3A_145 : vector<1x16xf32> to vector<16xf32>
        %add3A_147 = arith.addf %get3A_134, %get3A_146 : vector<16xf32>
        %max3A = arith.constant 0.000000e+00 : f32
        %max3A_148 = vector.broadcast %max3A : f32 to vector<16xf32>
        %max3A_149 = arith.maximumf %add3A_147, %max3A_148 : vector<16xf32>
        %add3A_150 = arith.addf %get3A_142, %get3A_138 : vector<16xf32>
        %max3A_151 = arith.constant 0.000000e+00 : f32
        %max3A_152 = vector.broadcast %max3A_151 : f32 to vector<16xf32>
        %max3A_153 = arith.maximumf %add3A_150, %max3A_152 : vector<16xf32>
        %add3A_154 = arith.addf %max3A_149, %max3A_153 : vector<16xf32>
        %swap3A = arith.index_cast %scan3A_130 : i32 to index
        %swap3A_155 = arith.constant 0 : index
        %swap3A_156 = tpu.vector_load %arg19[%swap3A, %swap3A_155] {strides = array<i32>} : memref<40x64xf32, #tpu.memory_space<vmem>>, vector<1x16xf32>,
        %swap3A_157 = vector.shape_cast %swap3A_156 : vector<1x16xf32> to vector<16xf32>
        %swap3A_158 = vector.shape_cast %add3A_154 : vector<16xf32> to vector<1x16xf32>
        tpu.vector_store %arg19[%swap3A, %swap3A_155], %swap3A_158 {strides = array<i32>} : memref<40x64xf32, #tpu.memory_space<vmem>>, vector<1x16xf32>,
        %get3A_159 = arith.index_cast %scan3A_130 : i32 to index
        %get3A_160 = arith.constant 16 : index
        %get3A_161 = tpu.vector_load %arg13[%get3A_159, %get3A_160] {strides = array<i32>} : memref<40x128xf32, #tpu.memory_space<vmem>>, vector<1x16xf32>,
        %get3A_162 = vector.shape_cast %get3A_161 : vector<1x16xf32> to vector<16xf32>
        %get3A_163 = arith.index_cast %scan3A_130 : i32 to index
        %get3A_164 = arith.constant 80 : index
        %get3A_165 = tpu.vector_load %arg13[%get3A_163, %get3A_164] {strides = array<i32>} : memref<40x128xf32, #tpu.memory_space<vmem>>, vector<1x16xf32>,
        %get3A_166 = vector.shape_cast %get3A_165 : vector<1x16xf32> to vector<16xf32>
        %get3A_167 = arith.index_cast %scan3A_130 : i32 to index
        %get3A_168 = arith.constant 16 : index
        %get3A_169 = tpu.vector_load %arg14[%get3A_167, %get3A_168] {strides = array<i32>} : memref<40x128xf32, #tpu.memory_space<vmem>>, vector<1x16xf32>,
        %get3A_170 = vector.shape_cast %get3A_169 : vector<1x16xf32> to vector<16xf32>
        %get3A_171 = arith.index_cast %scan3A_130 : i32 to index
        %get3A_172 = arith.constant 80 : index
        %get3A_173 = tpu.vector_load %arg14[%get3A_171, %get3A_172] {strides = array<i32>} : memref<40x128xf32, #tpu.memory_space<vmem>>, vector<1x16xf32>,
        %get3A_174 = vector.shape_cast %get3A_173 : vector<1x16xf32> to vector<16xf32>
        %add3A_175 = arith.addf %get3A_162, %get3A_174 : vector<16xf32>
        %max3A_176 = arith.constant 0.000000e+00 : f32
        %max3A_177 = vector.broadcast %max3A_176 : f32 to vector<16xf32>
        %max3A_178 = arith.maximumf %add3A_175, %max3A_177 : vector<16xf32>
        %add3A_179 = arith.addf %get3A_170, %get3A_166 : vector<16xf32>
        %max3A_180 = arith.constant 0.000000e+00 : f32
        %max3A_181 = vector.broadcast %max3A_180 : f32 to vector<16xf32>
        %max3A_182 = arith.maximumf %add3A_179, %max3A_181 : vector<16xf32>
        %add3A_183 = arith.addf %max3A_178, %max3A_182 : vector<16xf32>
        %swap3A_184 = arith.index_cast %scan3A_130 : i32 to index
        %swap3A_185 = arith.constant 16 : index
        %swap3A_186 = tpu.vector_load %arg19[%swap3A_184, %swap3A_185] {strides = array<i32>} : memref<40x64xf32, #tpu.memory_space<vmem>>, vector<1x16xf32>,
        %swap3A_187 = vector.shape_cast %swap3A_186 : vector<1x16xf32> to vector<16xf32>
        %swap3A_188 = vector.shape_cast %add3A_183 : vector<16xf32> to vector<1x16xf32>
        tpu.vector_store %arg19[%swap3A_184, %swap3A_185], %swap3A_188 {strides = array<i32>} : memref<40x64xf32, #tpu.memory_space<vmem>>, vector<1x16xf32>,
        %get3A_189 = arith.index_cast %scan3A_130 : i32 to index
        %get3A_190 = arith.constant 32 : index
        %get3A_191 = tpu.vector_load %arg13[%get3A_189, %get3A_190] {strides = array<i32>} : memref<40x128xf32, #tpu.memory_space<vmem>>, vector<1x16xf32>,
        %get3A_192 = vector.shape_cast %get3A_191 : vector<1x16xf32> to vector<16xf32>
        %get3A_193 = arith.index_cast %scan3A_130 : i32 to index
        %get3A_194 = arith.constant 96 : index
        %get3A_195 = tpu.vector_load %arg13[%get3A_193, %get3A_194] {strides = array<i32>} : memref<40x128xf32, #tpu.memory_space<vmem>>, vector<1x16xf32>,
        %get3A_196 = vector.shape_cast %get3A_195 : vector<1x16xf32> to vector<16xf32>
        %get3A_197 = arith.index_cast %scan3A_130 : i32 to index
        %get3A_198 = arith.constant 32 : index
        %get3A_199 = tpu.vector_load %arg14[%get3A_197, %get3A_198] {strides = array<i32>} : memref<40x128xf32, #tpu.memory_space<vmem>>, vector<1x16xf32>,
        %get3A_200 = vector.shape_cast %get3A_199 : vector<1x16xf32> to vector<16xf32>
        %get3A_201 = arith.index_cast %scan3A_130 : i32 to index
        %get3A_202 = arith.constant 96 : index
        %get3A_203 = tpu.vector_load %arg14[%get3A_201, %get3A_202] {strides = array<i32>} : memref<40x128xf32, #tpu.memory_space<vmem>>, vector<1x16xf32>,
        %get3A_204 = vector.shape_cast %get3A_203 : vector<1x16xf32> to vector<16xf32>
        %add3A_205 = arith.addf %get3A_192, %get3A_204 : vector<16xf32>
        %max3A_206 = arith.constant 0.000000e+00 : f32
        %max3A_207 = vector.broadcast %max3A_206 : f32 to vector<16xf32>
        %max3A_208 = arith.maximumf %add3A_205, %max3A_207 : vector<16xf32>
        %add3A_209 = arith.addf %get3A_200, %get3A_196 : vector<16xf32>
        %max3A_210 = arith.constant 0.000000e+00 : f32
        %max3A_211 = vector.broadcast %max3A_210 : f32 to vector<16xf32>
        %max3A_212 = arith.maximumf %add3A_209, %max3A_211 : vector<16xf32>
        %add3A_213 = arith.addf %max3A_208, %max3A_212 : vector<16xf32>
        %swap3A_214 = arith.index_cast %scan3A_130 : i32 to index
        %swap3A_215 = arith.constant 32 : index
        %swap3A_216 = tpu.vector_load %arg19[%swap3A_214, %swap3A_215] {strides = array<i32>} : memref<40x64xf32, #tpu.memory_space<vmem>>, vector<1x16xf32>,
        %swap3A_217 = vector.shape_cast %swap3A_216 : vector<1x16xf32> to vector<16xf32>
        %swap3A_218 = vector.shape_cast %add3A_213 : vector<16xf32> to vector<1x16xf32>
        tpu.vector_store %arg19[%swap3A_214, %swap3A_215], %swap3A_218 {strides = array<i32>} : memref<40x64xf32, #tpu.memory_space<vmem>>, vector<1x16xf32>,
        %get3A_219 = arith.index_cast %scan3A_130 : i32 to index
        %get3A_220 = arith.constant 48 : index
        %get3A_221 = tpu.vector_load %arg13[%get3A_219, %get3A_220] {strides = array<i32>} : memref<40x128xf32, #tpu.memory_space<vmem>>, vector<1x16xf32>,
        %get3A_222 = vector.shape_cast %get3A_221 : vector<1x16xf32> to vector<16xf32>
        %get3A_223 = arith.index_cast %scan3A_130 : i32 to index
        %get3A_224 = arith.constant 112 : index
        %get3A_225 = tpu.vector_load %arg13[%get3A_223, %get3A_224] {strides = array<i32>} : memref<40x128xf32, #tpu.memory_space<vmem>>, vector<1x16xf32>,
        %get3A_226 = vector.shape_cast %get3A_225 : vector<1x16xf32> to vector<16xf32>
        %get3A_227 = arith.index_cast %scan3A_130 : i32 to index
        %get3A_228 = arith.constant 48 : index
        %get3A_229 = tpu.vector_load %arg14[%get3A_227, %get3A_228] {strides = array<i32>} : memref<40x128xf32, #tpu.memory_space<vmem>>, vector<1x16xf32>,
        %get3A_230 = vector.shape_cast %get3A_229 : vector<1x16xf32> to vector<16xf32>
        %get3A_231 = arith.index_cast %scan3A_130 : i32 to index
        %get3A_232 = arith.constant 112 : index
        %get3A_233 = tpu.vector_load %arg14[%get3A_231, %get3A_232] {strides = array<i32>} : memref<40x128xf32, #tpu.memory_space<vmem>>, vector<1x16xf32>,
        %get3A_234 = vector.shape_cast %get3A_233 : vector<1x16xf32> to vector<16xf32>
        %add3A_235 = arith.addf %get3A_222, %get3A_234 : vector<16xf32>
        %max3A_236 = arith.constant 0.000000e+00 : f32
        %max3A_237 = vector.broadcast %max3A_236 : f32 to vector<16xf32>
        %max3A_238 = arith.maximumf %add3A_235, %max3A_237 : vector<16xf32>
        %add3A_239 = arith.addf %get3A_230, %get3A_226 : vector<16xf32>
        %max3A_240 = arith.constant 0.000000e+00 : f32
        %max3A_241 = vector.broadcast %max3A_240 : f32 to vector<16xf32>
        %max3A_242 = arith.maximumf %add3A_239, %max3A_241 : vector<16xf32>
        %add3A_243 = arith.addf %max3A_238, %max3A_242 : vector<16xf32>
        %swap3A_244 = arith.index_cast %scan3A_130 : i32 to index
        %swap3A_245 = arith.constant 48 : index
        %swap3A_246 = tpu.vector_load %arg19[%swap3A_244, %swap3A_245] {strides = array<i32>} : memref<40x64xf32, #tpu.memory_space<vmem>>, vector<1x16xf32>,
        %swap3A_247 = vector.shape_cast %swap3A_246 : vector<1x16xf32> to vector<16xf32>
        %swap3A_248 = vector.shape_cast %add3A_243 : vector<16xf32> to vector<1x16xf32>
        tpu.vector_store %arg19[%swap3A_244, %swap3A_245], %swap3A_248 {strides = array<i32>} : memref<40x64xf32, #tpu.memory_space<vmem>>, vector<1x16xf32>,
        %scan3A_249 = arith.constant 0 : i32
        scf.yield %scan3A_249 : i32
      }
      %scan3A_92 = arith.constant 40 : i32
      %mul3A_93 = arith.constant 40 : i32
      %mul3A_94 = arith.muli %mul3A_85, %mul3A_93 : i32
      %add3A_95 = arith.addi %mul3A_2, %mul3A_94 : i32
      "tpu.region"() ({
        %run_scoped3A = tpu.sem_alloc : memref<!tpu.dma_semaphore, #tpu.memory_space<semaphore_mem>>
        %dma_start3A_130 = arith.constant 0 : i32
        %dma_start3A_131 = tpu.memref_slice %arg9[%add3A_95, %dma_start3A_130] : memref<800000x64xf32, #tpu.memory_space<hbm>> -> memref<40x64xf32, #tpu.memory_space<hbm>>
        %dma_start3A_132 = arith.constant 0 : i32
        %dma_start3A_133 = tpu.memref_slice %arg9[%add3A_95, %dma_start3A_132] : memref<800000x64xf32, #tpu.memory_space<hbm>> -> memref<40x64xf32, #tpu.memory_space<hbm>>
        tpu.enqueue_dma source(%arg19 : memref<40x64xf32, #tpu.memory_space<vmem>>) target(%dma_start3A_133 : memref<40x64xf32, #tpu.memory_space<hbm>>) target_semaphore(%run_scoped3A : memref<!tpu.dma_semaphore, #tpu.memory_space<semaphore_mem>>)
        %dma_wait3A_134 = arith.constant 0 : i32
        %dma_wait3A_135 = tpu.memref_slice %arg9[%add3A_95, %dma_wait3A_134] : memref<800000x64xf32, #tpu.memory_space<hbm>> -> memref<40x64xf32, #tpu.memory_space<hbm>>
        %dma_wait3A_136 = arith.constant 0 : i32
        %dma_wait3A_137 = tpu.memref_slice %arg9[%add3A_95, %dma_wait3A_136] : memref<800000x64xf32, #tpu.memory_space<hbm>> -> memref<40x64xf32, #tpu.memory_space<hbm>>
        tpu.wait_dma2 semaphore(%run_scoped3A : memref<!tpu.dma_semaphore, #tpu.memory_space<semaphore_mem>>) src(%arg19 : memref<40x64xf32, #tpu.memory_space<vmem>>) dst(%dma_wait3A_137 : memref<40x64xf32, #tpu.memory_space<hbm>>)
        tpu.yield
      }) : () -> ()
      %mul3A_96 = arith.constant 2 : i32
      %mul3A_97 = arith.muli %mul3A_96, %scan3A_63 : i32
      %add3A_98 = arith.constant 2 : i32
      %add3A_99 = arith.addi %mul3A_97, %add3A_98 : i32
      %mul3A_100 = arith.constant 40 : i32
      %mul3A_101 = arith.muli %add3A_99, %mul3A_100 : i32
      %add3A_102 = arith.addi %mul3A_2, %mul3A_101 : i32
      "tpu.region"() ({
        %run_scoped3A = tpu.sem_alloc : memref<!tpu.dma_semaphore, #tpu.memory_space<semaphore_mem>>
        %dma_start3A_130 = tpu.memref_slice %arg3[%add3A_102] : memref<800000xi32, #tpu.memory_space<hbm>> -> memref<40xi32, #tpu.memory_space<hbm>>
        %dma_start3A_131 = tpu.memref_slice %arg3[%add3A_102] : memref<800000xi32, #tpu.memory_space<hbm>> -> memref<40xi32, #tpu.memory_space<hbm>>
        tpu.enqueue_dma source(%dma_start3A_131 : memref<40xi32, #tpu.memory_space<hbm>>) target(%arg11 : memref<40xi32, #tpu.memory_space<vmem>>) target_semaphore(%run_scoped3A : memref<!tpu.dma_semaphore, #tpu.memory_space<semaphore_mem>>)
        %dma_wait3A_132 = tpu.memref_slice %arg3[%add3A_102] : memref<800000xi32, #tpu.memory_space<hbm>> -> memref<40xi32, #tpu.memory_space<hbm>>
        %dma_wait3A_133 = tpu.memref_slice %arg3[%add3A_102] : memref<800000xi32, #tpu.memory_space<hbm>> -> memref<40xi32, #tpu.memory_space<hbm>>
        tpu.wait_dma2 semaphore(%run_scoped3A : memref<!tpu.dma_semaphore, #tpu.memory_space<semaphore_mem>>) src(%dma_wait3A_133 : memref<40xi32, #tpu.memory_space<hbm>>) dst(%arg11 : memref<40xi32, #tpu.memory_space<vmem>>)
        tpu.yield
      }) : () -> ()
      "tpu.region"() ({
        %run_scoped3A = tpu.sem_alloc : memref<!tpu.dma_semaphore, #tpu.memory_space<semaphore_mem>>
        %dma_start3A_130 = tpu.memref_slice %arg4[%add3A_102] : memref<800000xi32, #tpu.memory_space<hbm>> -> memref<40xi32, #tpu.memory_space<hbm>>
        %dma_start3A_131 = tpu.memref_slice %arg4[%add3A_102] : memref<800000xi32, #tpu.memory_space<hbm>> -> memref<40xi32, #tpu.memory_space<hbm>>
        tpu.enqueue_dma source(%dma_start3A_131 : memref<40xi32, #tpu.memory_space<hbm>>) target(%arg12 : memref<40xi32, #tpu.memory_space<vmem>>) target_semaphore(%run_scoped3A : memref<!tpu.dma_semaphore, #tpu.memory_space<semaphore_mem>>)
        %dma_wait3A_132 = tpu.memref_slice %arg4[%add3A_102] : memref<800000xi32, #tpu.memory_space<hbm>> -> memref<40xi32, #tpu.memory_space<hbm>>
        %dma_wait3A_133 = tpu.memref_slice %arg4[%add3A_102] : memref<800000xi32, #tpu.memory_space<hbm>> -> memref<40xi32, #tpu.memory_space<hbm>>
        tpu.wait_dma2 semaphore(%run_scoped3A : memref<!tpu.dma_semaphore, #tpu.memory_space<semaphore_mem>>) src(%dma_wait3A_133 : memref<40xi32, #tpu.memory_space<hbm>>) dst(%arg12 : memref<40xi32, #tpu.memory_space<vmem>>)
        tpu.yield
      }) : () -> ()
      %dma_start3A_103 = arith.constant 0 : i32
      %dma_start3A_104 = arith.constant 0 : i32
      %dma_start3A_105 = tpu.memref_slice %arg2[%dma_start3A_103, %dma_start3A_104] : memref<50000x128xf32, #tpu.memory_space<hbm>> -> memref<50000x128xf32, #tpu.memory_space<hbm>>
      tpu.enqueue_indirect_dma source(%dma_start3A_105 : memref<50000x128xf32, #tpu.memory_space<hbm>>) target(%arg13 : memref<40x128xf32, #tpu.memory_space<vmem>>) offsets(%arg11 : memref<40xi32, #tpu.memory_space<vmem>>) semaphore(%arg25 : memref<!tpu.dma_semaphore, #tpu.memory_space<semaphore_mem>>)
      %dma_start3A_106 = arith.constant 0 : i32
      %dma_start3A_107 = arith.constant 0 : i32
      %dma_start3A_108 = tpu.memref_slice %arg2[%dma_start3A_106, %dma_start3A_107] : memref<50000x128xf32, #tpu.memory_space<hbm>> -> memref<50000x128xf32, #tpu.memory_space<hbm>>
      tpu.enqueue_indirect_dma source(%dma_start3A_108 : memref<50000x128xf32, #tpu.memory_space<hbm>>) target(%arg14 : memref<40x128xf32, #tpu.memory_space<vmem>>) offsets(%arg12 : memref<40xi32, #tpu.memory_space<vmem>>) semaphore(%arg25 : memref<!tpu.dma_semaphore, #tpu.memory_space<semaphore_mem>>)
      %dma_wait3A_109 = arith.constant 0 : i32
      %dma_wait3A_110 = arith.constant 0 : i32
      %dma_wait3A_111 = tpu.memref_slice %arg2[%dma_wait3A_109, %dma_wait3A_110] : memref<50000x128xf32, #tpu.memory_space<hbm>> -> memref<50000x128xf32, #tpu.memory_space<hbm>>
      tpu.wait_indirect_dma semaphore(%arg26 : memref<!tpu.dma_semaphore, #tpu.memory_space<semaphore_mem>>) src(%dma_wait3A_111 : memref<50000x128xf32, #tpu.memory_space<hbm>>) dst(%arg17 : memref<40x128xf32, #tpu.memory_space<vmem>>)
      %dma_wait3A_112 = arith.constant 0 : i32
      %dma_wait3A_113 = arith.constant 0 : i32
      %dma_wait3A_114 = tpu.memref_slice %arg2[%dma_wait3A_112, %dma_wait3A_113] : memref<50000x128xf32, #tpu.memory_space<hbm>> -> memref<50000x128xf32, #tpu.memory_space<hbm>>
      tpu.wait_indirect_dma semaphore(%arg26 : memref<!tpu.dma_semaphore, #tpu.memory_space<semaphore_mem>>) src(%dma_wait3A_114 : memref<50000x128xf32, #tpu.memory_space<hbm>>) dst(%arg18 : memref<40x128xf32, #tpu.memory_space<vmem>>)
      %mul3A_115 = arith.constant 2 : i32
      %mul3A_116 = arith.muli %mul3A_115, %scan3A_63 : i32
      %add3A_117 = arith.constant 1 : i32
      %add3A_118 = arith.addi %mul3A_116, %add3A_117 : i32
      %scan3A_119 = arith.constant 0 : i32
      %scan3A_120 = arith.constant 0 : i32
      %scan3A_121 = arith.constant 40 : i32
      %scan3A_122 = arith.addi %scan3A_120, %scan3A_121 : i32
      %scan3A_123 = arith.constant 1 : i32
      %scan3A_124 = scf.for %scan3A_130 = %scan3A_120 to %scan3A_122 step %scan3A_123 iter_args(%scan3A_131 = %scan3A_119) -> (i32)  : i32 {
        %get3A = arith.index_cast %scan3A_130 : i32 to index
        %get3A_132 = arith.constant 0 : index
        %get3A_133 = tpu.vector_load %arg17[%get3A, %get3A_132] {strides = array<i32>} : memref<40x128xf32, #tpu.memory_space<vmem>>, vector<1x16xf32>,
        %get3A_134 = vector.shape_cast %get3A_133 : vector<1x16xf32> to vector<16xf32>
        %get3A_135 = arith.index_cast %scan3A_130 : i32 to index
        %get3A_136 = arith.constant 64 : index
        %get3A_137 = tpu.vector_load %arg17[%get3A_135, %get3A_136] {strides = array<i32>} : memref<40x128xf32, #tpu.memory_space<vmem>>, vector<1x16xf32>,
        %get3A_138 = vector.shape_cast %get3A_137 : vector<1x16xf32> to vector<16xf32>
        %get3A_139 = arith.index_cast %scan3A_130 : i32 to index
        %get3A_140 = arith.constant 0 : index
        %get3A_141 = tpu.vector_load %arg18[%get3A_139, %get3A_140] {strides = array<i32>} : memref<40x128xf32, #tpu.memory_space<vmem>>, vector<1x16xf32>,
        %get3A_142 = vector.shape_cast %get3A_141 : vector<1x16xf32> to vector<16xf32>
        %get3A_143 = arith.index_cast %scan3A_130 : i32 to index
        %get3A_144 = arith.constant 64 : index
        %get3A_145 = tpu.vector_load %arg18[%get3A_143, %get3A_144] {strides = array<i32>} : memref<40x128xf32, #tpu.memory_space<vmem>>, vector<1x16xf32>,
        %get3A_146 = vector.shape_cast %get3A_145 : vector<1x16xf32> to vector<16xf32>
        %add3A_147 = arith.addf %get3A_134, %get3A_146 : vector<16xf32>
        %max3A = arith.constant 0.000000e+00 : f32
        %max3A_148 = vector.broadcast %max3A : f32 to vector<16xf32>
        %max3A_149 = arith.maximumf %add3A_147, %max3A_148 : vector<16xf32>
        %add3A_150 = arith.addf %get3A_142, %get3A_138 : vector<16xf32>
        %max3A_151 = arith.constant 0.000000e+00 : f32
        %max3A_152 = vector.broadcast %max3A_151 : f32 to vector<16xf32>
        %max3A_153 = arith.maximumf %add3A_150, %max3A_152 : vector<16xf32>
        %add3A_154 = arith.addf %max3A_149, %max3A_153 : vector<16xf32>
        %swap3A = arith.index_cast %scan3A_130 : i32 to index
        %swap3A_155 = arith.constant 0 : index
        %swap3A_156 = tpu.vector_load %arg19[%swap3A, %swap3A_155] {strides = array<i32>} : memref<40x64xf32, #tpu.memory_space<vmem>>, vector<1x16xf32>,
        %swap3A_157 = vector.shape_cast %swap3A_156 : vector<1x16xf32> to vector<16xf32>
        %swap3A_158 = vector.shape_cast %add3A_154 : vector<16xf32> to vector<1x16xf32>
        tpu.vector_store %arg19[%swap3A, %swap3A_155], %swap3A_158 {strides = array<i32>} : memref<40x64xf32, #tpu.memory_space<vmem>>, vector<1x16xf32>,
        %get3A_159 = arith.index_cast %scan3A_130 : i32 to index
        %get3A_160 = arith.constant 16 : index
        %get3A_161 = tpu.vector_load %arg17[%get3A_159, %get3A_160] {strides = array<i32>} : memref<40x128xf32, #tpu.memory_space<vmem>>, vector<1x16xf32>,
        %get3A_162 = vector.shape_cast %get3A_161 : vector<1x16xf32> to vector<16xf32>
        %get3A_163 = arith.index_cast %scan3A_130 : i32 to index
        %get3A_164 = arith.constant 80 : index
        %get3A_165 = tpu.vector_load %arg17[%get3A_163, %get3A_164] {strides = array<i32>} : memref<40x128xf32, #tpu.memory_space<vmem>>, vector<1x16xf32>,
        %get3A_166 = vector.shape_cast %get3A_165 : vector<1x16xf32> to vector<16xf32>
        %get3A_167 = arith.index_cast %scan3A_130 : i32 to index
        %get3A_168 = arith.constant 16 : index
        %get3A_169 = tpu.vector_load %arg18[%get3A_167, %get3A_168] {strides = array<i32>} : memref<40x128xf32, #tpu.memory_space<vmem>>, vector<1x16xf32>,
        %get3A_170 = vector.shape_cast %get3A_169 : vector<1x16xf32> to vector<16xf32>
        %get3A_171 = arith.index_cast %scan3A_130 : i32 to index
        %get3A_172 = arith.constant 80 : index
        %get3A_173 = tpu.vector_load %arg18[%get3A_171, %get3A_172] {strides = array<i32>} : memref<40x128xf32, #tpu.memory_space<vmem>>, vector<1x16xf32>,
        %get3A_174 = vector.shape_cast %get3A_173 : vector<1x16xf32> to vector<16xf32>
        %add3A_175 = arith.addf %get3A_162, %get3A_174 : vector<16xf32>
        %max3A_176 = arith.constant 0.000000e+00 : f32
        %max3A_177 = vector.broadcast %max3A_176 : f32 to vector<16xf32>
        %max3A_178 = arith.maximumf %add3A_175, %max3A_177 : vector<16xf32>
        %add3A_179 = arith.addf %get3A_170, %get3A_166 : vector<16xf32>
        %max3A_180 = arith.constant 0.000000e+00 : f32
        %max3A_181 = vector.broadcast %max3A_180 : f32 to vector<16xf32>
        %max3A_182 = arith.maximumf %add3A_179, %max3A_181 : vector<16xf32>
        %add3A_183 = arith.addf %max3A_178, %max3A_182 : vector<16xf32>
        %swap3A_184 = arith.index_cast %scan3A_130 : i32 to index
        %swap3A_185 = arith.constant 16 : index
        %swap3A_186 = tpu.vector_load %arg19[%swap3A_184, %swap3A_185] {strides = array<i32>} : memref<40x64xf32, #tpu.memory_space<vmem>>, vector<1x16xf32>,
        %swap3A_187 = vector.shape_cast %swap3A_186 : vector<1x16xf32> to vector<16xf32>
        %swap3A_188 = vector.shape_cast %add3A_183 : vector<16xf32> to vector<1x16xf32>
        tpu.vector_store %arg19[%swap3A_184, %swap3A_185], %swap3A_188 {strides = array<i32>} : memref<40x64xf32, #tpu.memory_space<vmem>>, vector<1x16xf32>,
        %get3A_189 = arith.index_cast %scan3A_130 : i32 to index
        %get3A_190 = arith.constant 32 : index
        %get3A_191 = tpu.vector_load %arg17[%get3A_189, %get3A_190] {strides = array<i32>} : memref<40x128xf32, #tpu.memory_space<vmem>>, vector<1x16xf32>,
        %get3A_192 = vector.shape_cast %get3A_191 : vector<1x16xf32> to vector<16xf32>
        %get3A_193 = arith.index_cast %scan3A_130 : i32 to index
        %get3A_194 = arith.constant 96 : index
        %get3A_195 = tpu.vector_load %arg17[%get3A_193, %get3A_194] {strides = array<i32>} : memref<40x128xf32, #tpu.memory_space<vmem>>, vector<1x16xf32>,
        %get3A_196 = vector.shape_cast %get3A_195 : vector<1x16xf32> to vector<16xf32>
        %get3A_197 = arith.index_cast %scan3A_130 : i32 to index
        %get3A_198 = arith.constant 32 : index
        %get3A_199 = tpu.vector_load %arg18[%get3A_197, %get3A_198] {strides = array<i32>} : memref<40x128xf32, #tpu.memory_space<vmem>>, vector<1x16xf32>,
        %get3A_200 = vector.shape_cast %get3A_199 : vector<1x16xf32> to vector<16xf32>
        %get3A_201 = arith.index_cast %scan3A_130 : i32 to index
        %get3A_202 = arith.constant 96 : index
        %get3A_203 = tpu.vector_load %arg18[%get3A_201, %get3A_202] {strides = array<i32>} : memref<40x128xf32, #tpu.memory_space<vmem>>, vector<1x16xf32>,
        %get3A_204 = vector.shape_cast %get3A_203 : vector<1x16xf32> to vector<16xf32>
        %add3A_205 = arith.addf %get3A_192, %get3A_204 : vector<16xf32>
        %max3A_206 = arith.constant 0.000000e+00 : f32
        %max3A_207 = vector.broadcast %max3A_206 : f32 to vector<16xf32>
        %max3A_208 = arith.maximumf %add3A_205, %max3A_207 : vector<16xf32>
        %add3A_209 = arith.addf %get3A_200, %get3A_196 : vector<16xf32>
        %max3A_210 = arith.constant 0.000000e+00 : f32
        %max3A_211 = vector.broadcast %max3A_210 : f32 to vector<16xf32>
        %max3A_212 = arith.maximumf %add3A_209, %max3A_211 : vector<16xf32>
        %add3A_213 = arith.addf %max3A_208, %max3A_212 : vector<16xf32>
        %swap3A_214 = arith.index_cast %scan3A_130 : i32 to index
        %swap3A_215 = arith.constant 32 : index
        %swap3A_216 = tpu.vector_load %arg19[%swap3A_214, %swap3A_215] {strides = array<i32>} : memref<40x64xf32, #tpu.memory_space<vmem>>, vector<1x16xf32>,
        %swap3A_217 = vector.shape_cast %swap3A_216 : vector<1x16xf32> to vector<16xf32>
        %swap3A_218 = vector.shape_cast %add3A_213 : vector<16xf32> to vector<1x16xf32>
        tpu.vector_store %arg19[%swap3A_214, %swap3A_215], %swap3A_218 {strides = array<i32>} : memref<40x64xf32, #tpu.memory_space<vmem>>, vector<1x16xf32>,
        %get3A_219 = arith.index_cast %scan3A_130 : i32 to index
        %get3A_220 = arith.constant 48 : index
        %get3A_221 = tpu.vector_load %arg17[%get3A_219, %get3A_220] {strides = array<i32>} : memref<40x128xf32, #tpu.memory_space<vmem>>, vector<1x16xf32>,
        %get3A_222 = vector.shape_cast %get3A_221 : vector<1x16xf32> to vector<16xf32>
        %get3A_223 = arith.index_cast %scan3A_130 : i32 to index
        %get3A_224 = arith.constant 112 : index
        %get3A_225 = tpu.vector_load %arg17[%get3A_223, %get3A_224] {strides = array<i32>} : memref<40x128xf32, #tpu.memory_space<vmem>>, vector<1x16xf32>,
        %get3A_226 = vector.shape_cast %get3A_225 : vector<1x16xf32> to vector<16xf32>
        %get3A_227 = arith.index_cast %scan3A_130 : i32 to index
        %get3A_228 = arith.constant 48 : index
        %get3A_229 = tpu.vector_load %arg18[%get3A_227, %get3A_228] {strides = array<i32>} : memref<40x128xf32, #tpu.memory_space<vmem>>, vector<1x16xf32>,
        %get3A_230 = vector.shape_cast %get3A_229 : vector<1x16xf32> to vector<16xf32>
        %get3A_231 = arith.index_cast %scan3A_130 : i32 to index
        %get3A_232 = arith.constant 112 : index
        %get3A_233 = tpu.vector_load %arg18[%get3A_231, %get3A_232] {strides = array<i32>} : memref<40x128xf32, #tpu.memory_space<vmem>>, vector<1x16xf32>,
        %get3A_234 = vector.shape_cast %get3A_233 : vector<1x16xf32> to vector<16xf32>
        %add3A_235 = arith.addf %get3A_222, %get3A_234 : vector<16xf32>
        %max3A_236 = arith.constant 0.000000e+00 : f32
        %max3A_237 = vector.broadcast %max3A_236 : f32 to vector<16xf32>
        %max3A_238 = arith.maximumf %add3A_235, %max3A_237 : vector<16xf32>
        %add3A_239 = arith.addf %get3A_230, %get3A_226 : vector<16xf32>
        %max3A_240 = arith.constant 0.000000e+00 : f32
        %max3A_241 = vector.broadcast %max3A_240 : f32 to vector<16xf32>
        %max3A_242 = arith.maximumf %add3A_239, %max3A_241 : vector<16xf32>
        %add3A_243 = arith.addf %max3A_238, %max3A_242 : vector<16xf32>
        %swap3A_244 = arith.index_cast %scan3A_130 : i32 to index
        %swap3A_245 = arith.constant 48 : index
        %swap3A_246 = tpu.vector_load %arg19[%swap3A_244, %swap3A_245] {strides = array<i32>} : memref<40x64xf32, #tpu.memory_space<vmem>>, vector<1x16xf32>,
        %swap3A_247 = vector.shape_cast %swap3A_246 : vector<1x16xf32> to vector<16xf32>
        %swap3A_248 = vector.shape_cast %add3A_243 : vector<16xf32> to vector<1x16xf32>
        tpu.vector_store %arg19[%swap3A_244, %swap3A_245], %swap3A_248 {strides = array<i32>} : memref<40x64xf32, #tpu.memory_space<vmem>>, vector<1x16xf32>,
        %scan3A_249 = arith.constant 0 : i32
        scf.yield %scan3A_249 : i32
      }
      %scan3A_125 = arith.constant 40 : i32
      %mul3A_126 = arith.constant 40 : i32
      %mul3A_127 = arith.muli %add3A_118, %mul3A_126 : i32
      %add3A_128 = arith.addi %mul3A_2, %mul3A_127 : i32
      "tpu.region"() ({
        %run_scoped3A = tpu.sem_alloc : memref<!tpu.dma_semaphore, #tpu.memory_space<semaphore_mem>>
        %dma_start3A_130 = arith.constant 0 : i32
        %dma_start3A_131 = tpu.memref_slice %arg9[%add3A_128, %dma_start3A_130] : memref<800000x64xf32, #tpu.memory_space<hbm>> -> memref<40x64xf32, #tpu.memory_space<hbm>>
        %dma_start3A_132 = arith.constant 0 : i32
        %dma_start3A_133 = tpu.memref_slice %arg9[%add3A_128, %dma_start3A_132] : memref<800000x64xf32, #tpu.memory_space<hbm>> -> memref<40x64xf32, #tpu.memory_space<hbm>>
        tpu.enqueue_dma source(%arg19 : memref<40x64xf32, #tpu.memory_space<vmem>>) target(%dma_start3A_133 : memref<40x64xf32, #tpu.memory_space<hbm>>) target_semaphore(%run_scoped3A : memref<!tpu.dma_semaphore, #tpu.memory_space<semaphore_mem>>)
        %dma_wait3A_134 = arith.constant 0 : i32
        %dma_wait3A_135 = tpu.memref_slice %arg9[%add3A_128, %dma_wait3A_134] : memref<800000x64xf32, #tpu.memory_space<hbm>> -> memref<40x64xf32, #tpu.memory_space<hbm>>
        %dma_wait3A_136 = arith.constant 0 : i32
        %dma_wait3A_137 = tpu.memref_slice %arg9[%add3A_128, %dma_wait3A_136] : memref<800000x64xf32, #tpu.memory_space<hbm>> -> memref<40x64xf32, #tpu.memory_space<hbm>>
        tpu.wait_dma2 semaphore(%run_scoped3A : memref<!tpu.dma_semaphore, #tpu.memory_space<semaphore_mem>>) src(%arg19 : memref<40x64xf32, #tpu.memory_space<vmem>>) dst(%dma_wait3A_137 : memref<40x64xf32, #tpu.memory_space<hbm>>)
        tpu.yield
      }) : () -> ()
      %scan3A_129 = arith.constant 0 : i32
      scf.yield %scan3A_129 : i32
    }
    %scan3A_15 = arith.constant 312 : i32
    %dma_wait3A = arith.constant 0 : i32
    %dma_wait3A_16 = arith.constant 0 : i32
    %dma_wait3A_17 = tpu.memref_slice %arg2[%dma_wait3A, %dma_wait3A_16] : memref<50000x128xf32, #tpu.memory_space<hbm>> -> memref<50000x128xf32, #tpu.memory_space<hbm>>
    tpu.wait_indirect_dma semaphore(%arg25 : memref<!tpu.dma_semaphore, #tpu.memory_space<semaphore_mem>>) src(%dma_wait3A_17 : memref<50000x128xf32, #tpu.memory_space<hbm>>) dst(%arg13 : memref<40x128xf32, #tpu.memory_space<vmem>>)
    %dma_wait3A_18 = arith.constant 0 : i32
    %dma_wait3A_19 = arith.constant 0 : i32
    %dma_wait3A_20 = tpu.memref_slice %arg2[%dma_wait3A_18, %dma_wait3A_19] : memref<50000x128xf32, #tpu.memory_space<hbm>> -> memref<50000x128xf32, #tpu.memory_space<hbm>>
    tpu.wait_indirect_dma semaphore(%arg25 : memref<!tpu.dma_semaphore, #tpu.memory_space<semaphore_mem>>) src(%dma_wait3A_20 : memref<50000x128xf32, #tpu.memory_space<hbm>>) dst(%arg14 : memref<40x128xf32, #tpu.memory_space<vmem>>)
    %scan3A_21 = arith.constant 0 : i32
    %scan3A_22 = arith.constant 0 : i32
    %scan3A_23 = arith.constant 40 : i32
    %scan3A_24 = arith.addi %scan3A_22, %scan3A_23 : i32
    %scan3A_25 = arith.constant 1 : i32
    %scan3A_26 = scf.for %scan3A_63 = %scan3A_22 to %scan3A_24 step %scan3A_25 iter_args(%scan3A_64 = %scan3A_21) -> (i32)  : i32 {
      %get3A = arith.index_cast %scan3A_63 : i32 to index
      %get3A_65 = arith.constant 0 : index
      %get3A_66 = tpu.vector_load %arg13[%get3A, %get3A_65] {strides = array<i32>} : memref<40x128xf32, #tpu.memory_space<vmem>>, vector<1x16xf32>,
      %get3A_67 = vector.shape_cast %get3A_66 : vector<1x16xf32> to vector<16xf32>
      %get3A_68 = arith.index_cast %scan3A_63 : i32 to index
      %get3A_69 = arith.constant 64 : index
      %get3A_70 = tpu.vector_load %arg13[%get3A_68, %get3A_69] {strides = array<i32>} : memref<40x128xf32, #tpu.memory_space<vmem>>, vector<1x16xf32>,
      %get3A_71 = vector.shape_cast %get3A_70 : vector<1x16xf32> to vector<16xf32>
      %get3A_72 = arith.index_cast %scan3A_63 : i32 to index
      %get3A_73 = arith.constant 0 : index
      %get3A_74 = tpu.vector_load %arg14[%get3A_72, %get3A_73] {strides = array<i32>} : memref<40x128xf32, #tpu.memory_space<vmem>>, vector<1x16xf32>,
      %get3A_75 = vector.shape_cast %get3A_74 : vector<1x16xf32> to vector<16xf32>
      %get3A_76 = arith.index_cast %scan3A_63 : i32 to index
      %get3A_77 = arith.constant 64 : index
      %get3A_78 = tpu.vector_load %arg14[%get3A_76, %get3A_77] {strides = array<i32>} : memref<40x128xf32, #tpu.memory_space<vmem>>, vector<1x16xf32>,
      %get3A_79 = vector.shape_cast %get3A_78 : vector<1x16xf32> to vector<16xf32>
      %add3A_80 = arith.addf %get3A_67, %get3A_79 : vector<16xf32>
      %max3A = arith.constant 0.000000e+00 : f32
      %max3A_81 = vector.broadcast %max3A : f32 to vector<16xf32>
      %max3A_82 = arith.maximumf %add3A_80, %max3A_81 : vector<16xf32>
      %add3A_83 = arith.addf %get3A_75, %get3A_71 : vector<16xf32>
      %max3A_84 = arith.constant 0.000000e+00 : f32
      %max3A_85 = vector.broadcast %max3A_84 : f32 to vector<16xf32>
      %max3A_86 = arith.maximumf %add3A_83, %max3A_85 : vector<16xf32>
      %add3A_87 = arith.addf %max3A_82, %max3A_86 : vector<16xf32>
      %swap3A = arith.index_cast %scan3A_63 : i32 to index
      %swap3A_88 = arith.constant 0 : index
      %swap3A_89 = tpu.vector_load %arg19[%swap3A, %swap3A_88] {strides = array<i32>} : memref<40x64xf32, #tpu.memory_space<vmem>>, vector<1x16xf32>,
      %swap3A_90 = vector.shape_cast %swap3A_89 : vector<1x16xf32> to vector<16xf32>
      %swap3A_91 = vector.shape_cast %add3A_87 : vector<16xf32> to vector<1x16xf32>
      tpu.vector_store %arg19[%swap3A, %swap3A_88], %swap3A_91 {strides = array<i32>} : memref<40x64xf32, #tpu.memory_space<vmem>>, vector<1x16xf32>,
      %get3A_92 = arith.index_cast %scan3A_63 : i32 to index
      %get3A_93 = arith.constant 16 : index
      %get3A_94 = tpu.vector_load %arg13[%get3A_92, %get3A_93] {strides = array<i32>} : memref<40x128xf32, #tpu.memory_space<vmem>>, vector<1x16xf32>,
      %get3A_95 = vector.shape_cast %get3A_94 : vector<1x16xf32> to vector<16xf32>
      %get3A_96 = arith.index_cast %scan3A_63 : i32 to index
      %get3A_97 = arith.constant 80 : index
      %get3A_98 = tpu.vector_load %arg13[%get3A_96, %get3A_97] {strides = array<i32>} : memref<40x128xf32, #tpu.memory_space<vmem>>, vector<1x16xf32>,
      %get3A_99 = vector.shape_cast %get3A_98 : vector<1x16xf32> to vector<16xf32>
      %get3A_100 = arith.index_cast %scan3A_63 : i32 to index
      %get3A_101 = arith.constant 16 : index
      %get3A_102 = tpu.vector_load %arg14[%get3A_100, %get3A_101] {strides = array<i32>} : memref<40x128xf32, #tpu.memory_space<vmem>>, vector<1x16xf32>,
      %get3A_103 = vector.shape_cast %get3A_102 : vector<1x16xf32> to vector<16xf32>
      %get3A_104 = arith.index_cast %scan3A_63 : i32 to index
      %get3A_105 = arith.constant 80 : index
      %get3A_106 = tpu.vector_load %arg14[%get3A_104, %get3A_105] {strides = array<i32>} : memref<40x128xf32, #tpu.memory_space<vmem>>, vector<1x16xf32>,
      %get3A_107 = vector.shape_cast %get3A_106 : vector<1x16xf32> to vector<16xf32>
      %add3A_108 = arith.addf %get3A_95, %get3A_107 : vector<16xf32>
      %max3A_109 = arith.constant 0.000000e+00 : f32
      %max3A_110 = vector.broadcast %max3A_109 : f32 to vector<16xf32>
      %max3A_111 = arith.maximumf %add3A_108, %max3A_110 : vector<16xf32>
      %add3A_112 = arith.addf %get3A_103, %get3A_99 : vector<16xf32>
      %max3A_113 = arith.constant 0.000000e+00 : f32
      %max3A_114 = vector.broadcast %max3A_113 : f32 to vector<16xf32>
      %max3A_115 = arith.maximumf %add3A_112, %max3A_114 : vector<16xf32>
      %add3A_116 = arith.addf %max3A_111, %max3A_115 : vector<16xf32>
      %swap3A_117 = arith.index_cast %scan3A_63 : i32 to index
      %swap3A_118 = arith.constant 16 : index
      %swap3A_119 = tpu.vector_load %arg19[%swap3A_117, %swap3A_118] {strides = array<i32>} : memref<40x64xf32, #tpu.memory_space<vmem>>, vector<1x16xf32>,
      %swap3A_120 = vector.shape_cast %swap3A_119 : vector<1x16xf32> to vector<16xf32>
      %swap3A_121 = vector.shape_cast %add3A_116 : vector<16xf32> to vector<1x16xf32>
      tpu.vector_store %arg19[%swap3A_117, %swap3A_118], %swap3A_121 {strides = array<i32>} : memref<40x64xf32, #tpu.memory_space<vmem>>, vector<1x16xf32>,
      %get3A_122 = arith.index_cast %scan3A_63 : i32 to index
      %get3A_123 = arith.constant 32 : index
      %get3A_124 = tpu.vector_load %arg13[%get3A_122, %get3A_123] {strides = array<i32>} : memref<40x128xf32, #tpu.memory_space<vmem>>, vector<1x16xf32>,
      %get3A_125 = vector.shape_cast %get3A_124 : vector<1x16xf32> to vector<16xf32>
      %get3A_126 = arith.index_cast %scan3A_63 : i32 to index
      %get3A_127 = arith.constant 96 : index
      %get3A_128 = tpu.vector_load %arg13[%get3A_126, %get3A_127] {strides = array<i32>} : memref<40x128xf32, #tpu.memory_space<vmem>>, vector<1x16xf32>,
      %get3A_129 = vector.shape_cast %get3A_128 : vector<1x16xf32> to vector<16xf32>
      %get3A_130 = arith.index_cast %scan3A_63 : i32 to index
      %get3A_131 = arith.constant 32 : index
      %get3A_132 = tpu.vector_load %arg14[%get3A_130, %get3A_131] {strides = array<i32>} : memref<40x128xf32, #tpu.memory_space<vmem>>, vector<1x16xf32>,
      %get3A_133 = vector.shape_cast %get3A_132 : vector<1x16xf32> to vector<16xf32>
      %get3A_134 = arith.index_cast %scan3A_63 : i32 to index
      %get3A_135 = arith.constant 96 : index
      %get3A_136 = tpu.vector_load %arg14[%get3A_134, %get3A_135] {strides = array<i32>} : memref<40x128xf32, #tpu.memory_space<vmem>>, vector<1x16xf32>,
      %get3A_137 = vector.shape_cast %get3A_136 : vector<1x16xf32> to vector<16xf32>
      %add3A_138 = arith.addf %get3A_125, %get3A_137 : vector<16xf32>
      %max3A_139 = arith.constant 0.000000e+00 : f32
      %max3A_140 = vector.broadcast %max3A_139 : f32 to vector<16xf32>
      %max3A_141 = arith.maximumf %add3A_138, %max3A_140 : vector<16xf32>
      %add3A_142 = arith.addf %get3A_133, %get3A_129 : vector<16xf32>
      %max3A_143 = arith.constant 0.000000e+00 : f32
      %max3A_144 = vector.broadcast %max3A_143 : f32 to vector<16xf32>
      %max3A_145 = arith.maximumf %add3A_142, %max3A_144 : vector<16xf32>
      %add3A_146 = arith.addf %max3A_141, %max3A_145 : vector<16xf32>
      %swap3A_147 = arith.index_cast %scan3A_63 : i32 to index
      %swap3A_148 = arith.constant 32 : index
      %swap3A_149 = tpu.vector_load %arg19[%swap3A_147, %swap3A_148] {strides = array<i32>} : memref<40x64xf32, #tpu.memory_space<vmem>>, vector<1x16xf32>,
      %swap3A_150 = vector.shape_cast %swap3A_149 : vector<1x16xf32> to vector<16xf32>
      %swap3A_151 = vector.shape_cast %add3A_146 : vector<16xf32> to vector<1x16xf32>
      tpu.vector_store %arg19[%swap3A_147, %swap3A_148], %swap3A_151 {strides = array<i32>} : memref<40x64xf32, #tpu.memory_space<vmem>>, vector<1x16xf32>,
      %get3A_152 = arith.index_cast %scan3A_63 : i32 to index
      %get3A_153 = arith.constant 48 : index
      %get3A_154 = tpu.vector_load %arg13[%get3A_152, %get3A_153] {strides = array<i32>} : memref<40x128xf32, #tpu.memory_space<vmem>>, vector<1x16xf32>,
      %get3A_155 = vector.shape_cast %get3A_154 : vector<1x16xf32> to vector<16xf32>
      %get3A_156 = arith.index_cast %scan3A_63 : i32 to index
      %get3A_157 = arith.constant 112 : index
      %get3A_158 = tpu.vector_load %arg13[%get3A_156, %get3A_157] {strides = array<i32>} : memref<40x128xf32, #tpu.memory_space<vmem>>, vector<1x16xf32>,
      %get3A_159 = vector.shape_cast %get3A_158 : vector<1x16xf32> to vector<16xf32>
      %get3A_160 = arith.index_cast %scan3A_63 : i32 to index
      %get3A_161 = arith.constant 48 : index
      %get3A_162 = tpu.vector_load %arg14[%get3A_160, %get3A_161] {strides = array<i32>} : memref<40x128xf32, #tpu.memory_space<vmem>>, vector<1x16xf32>,
      %get3A_163 = vector.shape_cast %get3A_162 : vector<1x16xf32> to vector<16xf32>
      %get3A_164 = arith.index_cast %scan3A_63 : i32 to index
      %get3A_165 = arith.constant 112 : index
      %get3A_166 = tpu.vector_load %arg14[%get3A_164, %get3A_165] {strides = array<i32>} : memref<40x128xf32, #tpu.memory_space<vmem>>, vector<1x16xf32>,
      %get3A_167 = vector.shape_cast %get3A_166 : vector<1x16xf32> to vector<16xf32>
      %add3A_168 = arith.addf %get3A_155, %get3A_167 : vector<16xf32>
      %max3A_169 = arith.constant 0.000000e+00 : f32
      %max3A_170 = vector.broadcast %max3A_169 : f32 to vector<16xf32>
      %max3A_171 = arith.maximumf %add3A_168, %max3A_170 : vector<16xf32>
      %add3A_172 = arith.addf %get3A_163, %get3A_159 : vector<16xf32>
      %max3A_173 = arith.constant 0.000000e+00 : f32
      %max3A_174 = vector.broadcast %max3A_173 : f32 to vector<16xf32>
      %max3A_175 = arith.maximumf %add3A_172, %max3A_174 : vector<16xf32>
      %add3A_176 = arith.addf %max3A_171, %max3A_175 : vector<16xf32>
      %swap3A_177 = arith.index_cast %scan3A_63 : i32 to index
      %swap3A_178 = arith.constant 48 : index
      %swap3A_179 = tpu.vector_load %arg19[%swap3A_177, %swap3A_178] {strides = array<i32>} : memref<40x64xf32, #tpu.memory_space<vmem>>, vector<1x16xf32>,
      %swap3A_180 = vector.shape_cast %swap3A_179 : vector<1x16xf32> to vector<16xf32>
      %swap3A_181 = vector.shape_cast %add3A_176 : vector<16xf32> to vector<1x16xf32>
      tpu.vector_store %arg19[%swap3A_177, %swap3A_178], %swap3A_181 {strides = array<i32>} : memref<40x64xf32, #tpu.memory_space<vmem>>, vector<1x16xf32>,
      %scan3A_182 = arith.constant 0 : i32
      scf.yield %scan3A_182 : i32
    }
    %scan3A_27 = arith.constant 40 : i32
    %add3A_28 = arith.constant 24960 : i32
    %add3A_29 = arith.addi %mul3A_2, %add3A_28 : i32
    "tpu.region"() ({
      %run_scoped3A = tpu.sem_alloc : memref<!tpu.dma_semaphore, #tpu.memory_space<semaphore_mem>>
      %dma_start3A_63 = arith.constant 0 : i32
      %dma_start3A_64 = tpu.memref_slice %arg9[%add3A_29, %dma_start3A_63] : memref<800000x64xf32, #tpu.memory_space<hbm>> -> memref<40x64xf32, #tpu.memory_space<hbm>>
      %dma_start3A_65 = arith.constant 0 : i32
      %dma_start3A_66 = tpu.memref_slice %arg9[%add3A_29, %dma_start3A_65] : memref<800000x64xf32, #tpu.memory_space<hbm>> -> memref<40x64xf32, #tpu.memory_space<hbm>>
      tpu.enqueue_dma source(%arg19 : memref<40x64xf32, #tpu.memory_space<vmem>>) target(%dma_start3A_66 : memref<40x64xf32, #tpu.memory_space<hbm>>) target_semaphore(%run_scoped3A : memref<!tpu.dma_semaphore, #tpu.memory_space<semaphore_mem>>)
      %dma_wait3A_67 = arith.constant 0 : i32
      %dma_wait3A_68 = tpu.memref_slice %arg9[%add3A_29, %dma_wait3A_67] : memref<800000x64xf32, #tpu.memory_space<hbm>> -> memref<40x64xf32, #tpu.memory_space<hbm>>
      %dma_wait3A_69 = arith.constant 0 : i32
      %dma_wait3A_70 = tpu.memref_slice %arg9[%add3A_29, %dma_wait3A_69] : memref<800000x64xf32, #tpu.memory_space<hbm>> -> memref<40x64xf32, #tpu.memory_space<hbm>>
      tpu.wait_dma2 semaphore(%run_scoped3A : memref<!tpu.dma_semaphore, #tpu.memory_space<semaphore_mem>>) src(%arg19 : memref<40x64xf32, #tpu.memory_space<vmem>>) dst(%dma_wait3A_70 : memref<40x64xf32, #tpu.memory_space<hbm>>)
      tpu.yield
    }) : () -> ()
    "tpu.region"() ({
      %run_scoped3A = tpu.sem_alloc : memref<!tpu.dma_semaphore, #tpu.memory_space<semaphore_mem>>
      tpu.enqueue_dma source(%arg8 : memref<40x56xf32, #tpu.memory_space<hbm>>) target(%arg21 : memref<40x56xf32, #tpu.memory_space<vmem>>) target_semaphore(%run_scoped3A : memref<!tpu.dma_semaphore, #tpu.memory_space<semaphore_mem>>)
      tpu.wait_dma2 semaphore(%run_scoped3A : memref<!tpu.dma_semaphore, #tpu.memory_space<semaphore_mem>>) src(%arg8 : memref<40x56xf32, #tpu.memory_space<hbm>>) dst(%arg21 : memref<40x56xf32, #tpu.memory_space<vmem>>)
      tpu.yield
    }) : () -> ()
    %scan3A_30 = arith.constant 0 : i32
    %scan3A_31 = arith.constant 0 : i32
    %scan3A_32 = arith.constant 40 : i32
    %scan3A_33 = arith.addi %scan3A_31, %scan3A_32 : i32
    %scan3A_34 = arith.constant 1 : i32
    %scan3A_35 = scf.for %scan3A_63 = %scan3A_31 to %scan3A_33 step %scan3A_34 iter_args(%scan3A_64 = %scan3A_30) -> (i32)  : i32 {
      %mul3A_65 = arith.constant 1600 : i32
      %mul3A_66 = arith.muli %arg1, %mul3A_65 : i32
      %mul3A_67 = arith.constant 40 : i32
      %mul3A_68 = arith.muli %scan3A_63, %mul3A_67 : i32
      %add3A_69 = arith.addi %mul3A_66, %mul3A_68 : i32
      "tpu.region"() ({
        %run_scoped3A = tpu.sem_alloc : memref<!tpu.dma_semaphore, #tpu.memory_space<semaphore_mem>>
        %dma_start3A_71 = tpu.memref_slice %arg7[%add3A_69] : memref<25600xi32, #tpu.memory_space<hbm>> -> memref<40xi32, #tpu.memory_space<hbm>>
        %dma_start3A_72 = tpu.memref_slice %arg7[%add3A_69] : memref<25600xi32, #tpu.memory_space<hbm>> -> memref<40xi32, #tpu.memory_space<hbm>>
        tpu.enqueue_dma source(%dma_start3A_72 : memref<40xi32, #tpu.memory_space<hbm>>) target(%arg20 : memref<40xi32, #tpu.memory_space<vmem>>) target_semaphore(%run_scoped3A : memref<!tpu.dma_semaphore, #tpu.memory_space<semaphore_mem>>)
        %dma_wait3A_73 = tpu.memref_slice %arg7[%add3A_69] : memref<25600xi32, #tpu.memory_space<hbm>> -> memref<40xi32, #tpu.memory_space<hbm>>
        %dma_wait3A_74 = tpu.memref_slice %arg7[%add3A_69] : memref<25600xi32, #tpu.memory_space<hbm>> -> memref<40xi32, #tpu.memory_space<hbm>>
        tpu.wait_dma2 semaphore(%run_scoped3A : memref<!tpu.dma_semaphore, #tpu.memory_space<semaphore_mem>>) src(%dma_wait3A_74 : memref<40xi32, #tpu.memory_space<hbm>>) dst(%arg20 : memref<40xi32, #tpu.memory_space<vmem>>)
        tpu.yield
      }) : () -> ()
      "tpu.region"() ({
        %run_scoped3A = tpu.sem_alloc : memref<!tpu.dma_semaphore, #tpu.memory_space<semaphore_mem>>
        %dma_start3A_71 = arith.constant 0 : i32
        %dma_start3A_72 = arith.constant 0 : i32
        %dma_start3A_73 = tpu.memref_slice %arg24[%dma_start3A_71, %dma_start3A_72] : memref<25600x56xf32, #tpu.memory_space<vmem_shared>> -> memref<25600x56xf32, #tpu.memory_space<vmem_shared>>
        tpu.enqueue_indirect_dma source(%arg21 : memref<40x56xf32, #tpu.memory_space<vmem>>) target(%dma_start3A_73 : memref<25600x56xf32, #tpu.memory_space<vmem_shared>>) offsets(%arg20 : memref<40xi32, #tpu.memory_space<vmem>>) semaphore(%run_scoped3A : memref<!tpu.dma_semaphore, #tpu.memory_space<semaphore_mem>>)
        %dma_wait3A_74 = arith.constant 0 : i32
        %dma_wait3A_75 = arith.constant 0 : i32
        %dma_wait3A_76 = tpu.memref_slice %arg24[%dma_wait3A_74, %dma_wait3A_75] : memref<25600x56xf32, #tpu.memory_space<vmem_shared>> -> memref<25600x56xf32, #tpu.memory_space<vmem_shared>>
        tpu.wait_indirect_dma semaphore(%run_scoped3A : memref<!tpu.dma_semaphore, #tpu.memory_space<semaphore_mem>>) src(%arg21 : memref<40x56xf32, #tpu.memory_space<vmem>>) dst(%dma_wait3A_76 : memref<25600x56xf32, #tpu.memory_space<vmem_shared>>)
        tpu.yield
      }) : () -> ()
      %scan3A_70 = arith.constant 0 : i32
      scf.yield %scan3A_70 : i32
    }
    %scan3A_36 = arith.constant 40 : i32
    %barrier3A = arith.constant 0 : index
    tpu.barrier barrier_id(%barrier3A)
    %mul3A_37 = arith.constant 50000 : i32
    %mul3A_38 = arith.muli %arg1, %mul3A_37 : i32
    %add3A_39 = arith.constant 0 : i32
    %add3A_40 = arith.addi %mul3A_38, %add3A_39 : i32
    %mul3A_41 = arith.constant 800000 : i32
    %mul3A_42 = arith.muli %arg0, %mul3A_41 : i32
    %add3A_43 = arith.addi %mul3A_42, %add3A_40 : i32
    "tpu.region"() ({
      %run_scoped3A = tpu.sem_alloc : memref<!tpu.dma_semaphore, #tpu.memory_space<semaphore_mem>>
      %dma_start3A_63 = tpu.memref_slice %arg5[%add3A_43] : memref<1600000xi32, #tpu.memory_space<hbm>> -> memref<40xi32, #tpu.memory_space<hbm>>
      %dma_start3A_64 = tpu.memref_slice %arg5[%add3A_43] : memref<1600000xi32, #tpu.memory_space<hbm>> -> memref<40xi32, #tpu.memory_space<hbm>>
      tpu.enqueue_dma source(%dma_start3A_64 : memref<40xi32, #tpu.memory_space<hbm>>) target(%arg20 : memref<40xi32, #tpu.memory_space<vmem>>) target_semaphore(%run_scoped3A : memref<!tpu.dma_semaphore, #tpu.memory_space<semaphore_mem>>)
      %dma_wait3A_65 = tpu.memref_slice %arg5[%add3A_43] : memref<1600000xi32, #tpu.memory_space<hbm>> -> memref<40xi32, #tpu.memory_space<hbm>>
      %dma_wait3A_66 = tpu.memref_slice %arg5[%add3A_43] : memref<1600000xi32, #tpu.memory_space<hbm>> -> memref<40xi32, #tpu.memory_space<hbm>>
      tpu.wait_dma2 semaphore(%run_scoped3A : memref<!tpu.dma_semaphore, #tpu.memory_space<semaphore_mem>>) src(%dma_wait3A_66 : memref<40xi32, #tpu.memory_space<hbm>>) dst(%arg20 : memref<40xi32, #tpu.memory_space<vmem>>)
      tpu.yield
    }) : () -> ()
    %dma_start3A_44 = arith.constant 0 : i32
    %dma_start3A_45 = tpu.memref_slice %arg6[%add3A_40, %dma_start3A_44] : memref<800000x56xf32, #tpu.memory_space<hbm>> -> memref<40x56xf32, #tpu.memory_space<hbm>>
    %dma_start3A_46 = arith.constant 0 : i32
    %dma_start3A_47 = tpu.memref_slice %arg6[%add3A_40, %dma_start3A_46] : memref<800000x56xf32, #tpu.memory_space<hbm>> -> memref<40x56xf32, #tpu.memory_space<hbm>>
    tpu.enqueue_dma source(%dma_start3A_47 : memref<40x56xf32, #tpu.memory_space<hbm>>) target(%arg21 : memref<40x56xf32, #tpu.memory_space<vmem>>) target_semaphore(%arg25 : memref<!tpu.dma_semaphore, #tpu.memory_space<semaphore_mem>>)
    %scan3A_48 = arith.constant 0 : i32
    %scan3A_49 = arith.constant 0 : i32
    %scan3A_50 = arith.constant 625 : i32
    %scan3A_51 = arith.addi %scan3A_49, %scan3A_50 : i32
    %scan3A_52 = arith.constant 1 : i32
    %scan3A_53 = scf.for %scan3A_63 = %scan3A_49 to %scan3A_51 step %scan3A_52 iter_args(%scan3A_64 = %scan3A_48) -> (i32)  : i32 {
      %mul3A_65 = arith.constant 2 : i32
      %mul3A_66 = arith.muli %mul3A_65, %scan3A_63 : i32
      %add3A_67 = arith.constant 1 : i32
      %add3A_68 = arith.addi %mul3A_66, %add3A_67 : i32
      %lt3A = arith.constant 1250 : i32
      %lt3A_69 = arith.cmpi slt, %add3A_68, %lt3A : i32
      %convert_element_type3A = arith.extui %lt3A_69 : i1 to i32
      %cond3A = arith.constant 0 : i32
      %cond3A_70 = arith.cmpi ne, %convert_element_type3A, %cond3A : i32
      scf.if %cond3A_70 {
        %mul3A_93 = arith.constant 50000 : i32
        %mul3A_94 = arith.muli %arg1, %mul3A_93 : i32
        %mul3A_95 = arith.constant 40 : i32
        %mul3A_96 = arith.muli %add3A_68, %mul3A_95 : i32
        %add3A_97 = arith.addi %mul3A_94, %mul3A_96 : i32
        %mul3A_98 = arith.constant 800000 : i32
        %mul3A_99 = arith.muli %arg0, %mul3A_98 : i32
        %add3A_100 = arith.addi %mul3A_99, %add3A_97 : i32
        "tpu.region"() ({
          %run_scoped3A = tpu.sem_alloc : memref<!tpu.dma_semaphore, #tpu.memory_space<semaphore_mem>>
          %dma_start3A_105 = tpu.memref_slice %arg5[%add3A_100] : memref<1600000xi32, #tpu.memory_space<hbm>> -> memref<40xi32, #tpu.memory_space<hbm>>
          %dma_start3A_106 = tpu.memref_slice %arg5[%add3A_100] : memref<1600000xi32, #tpu.memory_space<hbm>> -> memref<40xi32, #tpu.memory_space<hbm>>
          tpu.enqueue_dma source(%dma_start3A_106 : memref<40xi32, #tpu.memory_space<hbm>>) target(%arg22 : memref<40xi32, #tpu.memory_space<vmem>>) target_semaphore(%run_scoped3A : memref<!tpu.dma_semaphore, #tpu.memory_space<semaphore_mem>>)
          %dma_wait3A_107 = tpu.memref_slice %arg5[%add3A_100] : memref<1600000xi32, #tpu.memory_space<hbm>> -> memref<40xi32, #tpu.memory_space<hbm>>
          %dma_wait3A_108 = tpu.memref_slice %arg5[%add3A_100] : memref<1600000xi32, #tpu.memory_space<hbm>> -> memref<40xi32, #tpu.memory_space<hbm>>
          tpu.wait_dma2 semaphore(%run_scoped3A : memref<!tpu.dma_semaphore, #tpu.memory_space<semaphore_mem>>) src(%dma_wait3A_108 : memref<40xi32, #tpu.memory_space<hbm>>) dst(%arg22 : memref<40xi32, #tpu.memory_space<vmem>>)
          tpu.yield
        }) : () -> ()
        %dma_start3A_101 = arith.constant 0 : i32
        %dma_start3A_102 = tpu.memref_slice %arg6[%add3A_97, %dma_start3A_101] : memref<800000x56xf32, #tpu.memory_space<hbm>> -> memref<40x56xf32, #tpu.memory_space<hbm>>
        %dma_start3A_103 = arith.constant 0 : i32
        %dma_start3A_104 = tpu.memref_slice %arg6[%add3A_97, %dma_start3A_103] : memref<800000x56xf32, #tpu.memory_space<hbm>> -> memref<40x56xf32, #tpu.memory_space<hbm>>
        tpu.enqueue_dma source(%dma_start3A_104 : memref<40x56xf32, #tpu.memory_space<hbm>>) target(%arg23 : memref<40x56xf32, #tpu.memory_space<vmem>>) target_semaphore(%arg26 : memref<!tpu.dma_semaphore, #tpu.memory_space<semaphore_mem>>)
      } else {
      }
      %dma_wait3A_71 = arith.constant 0 : i32
      %dma_wait3A_72 = arith.constant 0 : i32
      %dma_wait3A_73 = tpu.memref_slice %arg6[%dma_wait3A_71, %dma_wait3A_72] : memref<800000x56xf32, #tpu.memory_space<hbm>> -> memref<40x56xf32, #tpu.memory_space<hbm>>
      %dma_wait3A_74 = arith.constant 0 : i32
      %dma_wait3A_75 = arith.constant 0 : i32
      %dma_wait3A_76 = tpu.memref_slice %arg6[%dma_wait3A_74, %dma_wait3A_75] : memref<800000x56xf32, #tpu.memory_space<hbm>> -> memref<40x56xf32, #tpu.memory_space<hbm>>
      tpu.wait_dma2 semaphore(%arg25 : memref<!tpu.dma_semaphore, #tpu.memory_space<semaphore_mem>>) src(%dma_wait3A_76 : memref<40x56xf32, #tpu.memory_space<hbm>>) dst(%arg21 : memref<40x56xf32, #tpu.memory_space<vmem>>)
      "tpu.region"() ({
        %run_scoped3A = tpu.sem_alloc : memref<!tpu.dma_semaphore, #tpu.memory_space<semaphore_mem>>
        %dma_start3A_93 = arith.constant 0 : i32
        %dma_start3A_94 = arith.constant 0 : i32
        %dma_start3A_95 = tpu.memref_slice %arg24[%dma_start3A_93, %dma_start3A_94] : memref<25600x56xf32, #tpu.memory_space<vmem_shared>> -> memref<25600x56xf32, #tpu.memory_space<vmem_shared>>
        tpu.enqueue_indirect_dma source(%arg21 : memref<40x56xf32, #tpu.memory_space<vmem>>) target(%dma_start3A_95 : memref<25600x56xf32, #tpu.memory_space<vmem_shared>>) offsets(%arg20 : memref<40xi32, #tpu.memory_space<vmem>>) semaphore(%run_scoped3A : memref<!tpu.dma_semaphore, #tpu.memory_space<semaphore_mem>>) {add = true}
        %dma_wait3A_96 = arith.constant 0 : i32
        %dma_wait3A_97 = arith.constant 0 : i32
        %dma_wait3A_98 = tpu.memref_slice %arg24[%dma_wait3A_96, %dma_wait3A_97] : memref<25600x56xf32, #tpu.memory_space<vmem_shared>> -> memref<25600x56xf32, #tpu.memory_space<vmem_shared>>
        tpu.wait_indirect_dma semaphore(%run_scoped3A : memref<!tpu.dma_semaphore, #tpu.memory_space<semaphore_mem>>) src(%arg21 : memref<40x56xf32, #tpu.memory_space<vmem>>) dst(%dma_wait3A_98 : memref<25600x56xf32, #tpu.memory_space<vmem_shared>>)
        tpu.yield
      }) : () -> ()
      %mul3A_77 = arith.constant 2 : i32
      %mul3A_78 = arith.muli %mul3A_77, %scan3A_63 : i32
      %add3A_79 = arith.constant 2 : i32
      %add3A_80 = arith.addi %mul3A_78, %add3A_79 : i32
      %lt3A_81 = arith.constant 1250 : i32
      %lt3A_82 = arith.cmpi slt, %add3A_80, %lt3A_81 : i32
      %convert_element_type3A_83 = arith.extui %lt3A_82 : i1 to i32
      %cond3A_84 = arith.constant 0 : i32
      %cond3A_85 = arith.cmpi ne, %convert_element_type3A_83, %cond3A_84 : i32
      scf.if %cond3A_85 {
        %mul3A_93 = arith.constant 50000 : i32
        %mul3A_94 = arith.muli %arg1, %mul3A_93 : i32
        %mul3A_95 = arith.constant 40 : i32
        %mul3A_96 = arith.muli %add3A_80, %mul3A_95 : i32
        %add3A_97 = arith.addi %mul3A_94, %mul3A_96 : i32
        %mul3A_98 = arith.constant 800000 : i32
        %mul3A_99 = arith.muli %arg0, %mul3A_98 : i32
        %add3A_100 = arith.addi %mul3A_99, %add3A_97 : i32
        "tpu.region"() ({
          %run_scoped3A = tpu.sem_alloc : memref<!tpu.dma_semaphore, #tpu.memory_space<semaphore_mem>>
          %dma_start3A_105 = tpu.memref_slice %arg5[%add3A_100] : memref<1600000xi32, #tpu.memory_space<hbm>> -> memref<40xi32, #tpu.memory_space<hbm>>
          %dma_start3A_106 = tpu.memref_slice %arg5[%add3A_100] : memref<1600000xi32, #tpu.memory_space<hbm>> -> memref<40xi32, #tpu.memory_space<hbm>>
          tpu.enqueue_dma source(%dma_start3A_106 : memref<40xi32, #tpu.memory_space<hbm>>) target(%arg20 : memref<40xi32, #tpu.memory_space<vmem>>) target_semaphore(%run_scoped3A : memref<!tpu.dma_semaphore, #tpu.memory_space<semaphore_mem>>)
          %dma_wait3A_107 = tpu.memref_slice %arg5[%add3A_100] : memref<1600000xi32, #tpu.memory_space<hbm>> -> memref<40xi32, #tpu.memory_space<hbm>>
          %dma_wait3A_108 = tpu.memref_slice %arg5[%add3A_100] : memref<1600000xi32, #tpu.memory_space<hbm>> -> memref<40xi32, #tpu.memory_space<hbm>>
          tpu.wait_dma2 semaphore(%run_scoped3A : memref<!tpu.dma_semaphore, #tpu.memory_space<semaphore_mem>>) src(%dma_wait3A_108 : memref<40xi32, #tpu.memory_space<hbm>>) dst(%arg20 : memref<40xi32, #tpu.memory_space<vmem>>)
          tpu.yield
        }) : () -> ()
        %dma_start3A_101 = arith.constant 0 : i32
        %dma_start3A_102 = tpu.memref_slice %arg6[%add3A_97, %dma_start3A_101] : memref<800000x56xf32, #tpu.memory_space<hbm>> -> memref<40x56xf32, #tpu.memory_space<hbm>>
        %dma_start3A_103 = arith.constant 0 : i32
        %dma_start3A_104 = tpu.memref_slice %arg6[%add3A_97, %dma_start3A_103] : memref<800000x56xf32, #tpu.memory_space<hbm>> -> memref<40x56xf32, #tpu.memory_space<hbm>>
        tpu.enqueue_dma source(%dma_start3A_104 : memref<40x56xf32, #tpu.memory_space<hbm>>) target(%arg21 : memref<40x56xf32, #tpu.memory_space<vmem>>) target_semaphore(%arg25 : memref<!tpu.dma_semaphore, #tpu.memory_space<semaphore_mem>>)
      } else {
      }
      %dma_wait3A_86 = arith.constant 0 : i32
      %dma_wait3A_87 = arith.constant 0 : i32
      %dma_wait3A_88 = tpu.memref_slice %arg6[%dma_wait3A_86, %dma_wait3A_87] : memref<800000x56xf32, #tpu.memory_space<hbm>> -> memref<40x56xf32, #tpu.memory_space<hbm>>
      %dma_wait3A_89 = arith.constant 0 : i32
      %dma_wait3A_90 = arith.constant 0 : i32
      %dma_wait3A_91 = tpu.memref_slice %arg6[%dma_wait3A_89, %dma_wait3A_90] : memref<800000x56xf32, #tpu.memory_space<hbm>> -> memref<40x56xf32, #tpu.memory_space<hbm>>
      tpu.wait_dma2 semaphore(%arg26 : memref<!tpu.dma_semaphore, #tpu.memory_space<semaphore_mem>>) src(%dma_wait3A_91 : memref<40x56xf32, #tpu.memory_space<hbm>>) dst(%arg23 : memref<40x56xf32, #tpu.memory_space<vmem>>)
      "tpu.region"() ({
        %run_scoped3A = tpu.sem_alloc : memref<!tpu.dma_semaphore, #tpu.memory_space<semaphore_mem>>
        %dma_start3A_93 = arith.constant 0 : i32
        %dma_start3A_94 = arith.constant 0 : i32
        %dma_start3A_95 = tpu.memref_slice %arg24[%dma_start3A_93, %dma_start3A_94] : memref<25600x56xf32, #tpu.memory_space<vmem_shared>> -> memref<25600x56xf32, #tpu.memory_space<vmem_shared>>
        tpu.enqueue_indirect_dma source(%arg23 : memref<40x56xf32, #tpu.memory_space<vmem>>) target(%dma_start3A_95 : memref<25600x56xf32, #tpu.memory_space<vmem_shared>>) offsets(%arg22 : memref<40xi32, #tpu.memory_space<vmem>>) semaphore(%run_scoped3A : memref<!tpu.dma_semaphore, #tpu.memory_space<semaphore_mem>>) {add = true}
        %dma_wait3A_96 = arith.constant 0 : i32
        %dma_wait3A_97 = arith.constant 0 : i32
        %dma_wait3A_98 = tpu.memref_slice %arg24[%dma_wait3A_96, %dma_wait3A_97] : memref<25600x56xf32, #tpu.memory_space<vmem_shared>> -> memref<25600x56xf32, #tpu.memory_space<vmem_shared>>
        tpu.wait_indirect_dma semaphore(%run_scoped3A : memref<!tpu.dma_semaphore, #tpu.memory_space<semaphore_mem>>) src(%arg23 : memref<40x56xf32, #tpu.memory_space<vmem>>) dst(%dma_wait3A_98 : memref<25600x56xf32, #tpu.memory_space<vmem_shared>>)
        tpu.yield
      }) : () -> ()
      %scan3A_92 = arith.constant 0 : i32
      scf.yield %scan3A_92 : i32
    }
    %scan3A_54 = arith.constant 625 : i32
    %barrier3A_55 = arith.constant 0 : index
    tpu.barrier barrier_id(%barrier3A_55)
    %scan3A_56 = arith.constant 0 : i32
    %scan3A_57 = arith.constant 0 : i32
    %scan3A_58 = arith.constant 40 : i32
    %scan3A_59 = arith.addi %scan3A_57, %scan3A_58 : i32
    %scan3A_60 = arith.constant 1 : i32
    %scan3A_61 = scf.for %scan3A_63 = %scan3A_57 to %scan3A_59 step %scan3A_60 iter_args(%scan3A_64 = %scan3A_56) -> (i32)  : i32 {
      %mul3A_65 = arith.constant 1600 : i32
      %mul3A_66 = arith.muli %arg1, %mul3A_65 : i32
      %mul3A_67 = arith.constant 40 : i32
      %mul3A_68 = arith.muli %scan3A_63, %mul3A_67 : i32
      %add3A_69 = arith.addi %mul3A_66, %mul3A_68 : i32
      "tpu.region"() ({
        %run_scoped3A = tpu.sem_alloc : memref<!tpu.dma_semaphore, #tpu.memory_space<semaphore_mem>>
        %dma_start3A_74 = tpu.memref_slice %arg7[%add3A_69] : memref<25600xi32, #tpu.memory_space<hbm>> -> memref<40xi32, #tpu.memory_space<hbm>>
        %dma_start3A_75 = tpu.memref_slice %arg7[%add3A_69] : memref<25600xi32, #tpu.memory_space<hbm>> -> memref<40xi32, #tpu.memory_space<hbm>>
        tpu.enqueue_dma source(%dma_start3A_75 : memref<40xi32, #tpu.memory_space<hbm>>) target(%arg20 : memref<40xi32, #tpu.memory_space<vmem>>) target_semaphore(%run_scoped3A : memref<!tpu.dma_semaphore, #tpu.memory_space<semaphore_mem>>)
        %dma_wait3A_76 = tpu.memref_slice %arg7[%add3A_69] : memref<25600xi32, #tpu.memory_space<hbm>> -> memref<40xi32, #tpu.memory_space<hbm>>
        %dma_wait3A_77 = tpu.memref_slice %arg7[%add3A_69] : memref<25600xi32, #tpu.memory_space<hbm>> -> memref<40xi32, #tpu.memory_space<hbm>>
        tpu.wait_dma2 semaphore(%run_scoped3A : memref<!tpu.dma_semaphore, #tpu.memory_space<semaphore_mem>>) src(%dma_wait3A_77 : memref<40xi32, #tpu.memory_space<hbm>>) dst(%arg20 : memref<40xi32, #tpu.memory_space<vmem>>)
        tpu.yield
      }) : () -> ()
      "tpu.region"() ({
        %run_scoped3A = tpu.sem_alloc : memref<!tpu.dma_semaphore, #tpu.memory_space<semaphore_mem>>
        %dma_start3A_74 = arith.constant 0 : i32
        %dma_start3A_75 = arith.constant 0 : i32
        %dma_start3A_76 = tpu.memref_slice %arg24[%dma_start3A_74, %dma_start3A_75] : memref<25600x56xf32, #tpu.memory_space<vmem_shared>> -> memref<25600x56xf32, #tpu.memory_space<vmem_shared>>
        tpu.enqueue_indirect_dma source(%dma_start3A_76 : memref<25600x56xf32, #tpu.memory_space<vmem_shared>>) target(%arg21 : memref<40x56xf32, #tpu.memory_space<vmem>>) offsets(%arg20 : memref<40xi32, #tpu.memory_space<vmem>>) semaphore(%run_scoped3A : memref<!tpu.dma_semaphore, #tpu.memory_space<semaphore_mem>>)
        %dma_wait3A_77 = arith.constant 0 : i32
        %dma_wait3A_78 = arith.constant 0 : i32
        %dma_wait3A_79 = tpu.memref_slice %arg24[%dma_wait3A_77, %dma_wait3A_78] : memref<25600x56xf32, #tpu.memory_space<vmem_shared>> -> memref<25600x56xf32, #tpu.memory_space<vmem_shared>>
        tpu.wait_indirect_dma semaphore(%run_scoped3A : memref<!tpu.dma_semaphore, #tpu.memory_space<semaphore_mem>>) src(%dma_wait3A_79 : memref<25600x56xf32, #tpu.memory_space<vmem_shared>>) dst(%arg21 : memref<40x56xf32, #tpu.memory_space<vmem>>)
        tpu.yield
      }) : () -> ()
      %mul3A_70 = arith.constant 25600 : i32
      %mul3A_71 = arith.muli %arg0, %mul3A_70 : i32
      %add3A_72 = arith.addi %mul3A_71, %add3A_69 : i32
      "tpu.region"() ({
        %run_scoped3A = tpu.sem_alloc : memref<!tpu.dma_semaphore, #tpu.memory_space<semaphore_mem>>
        %dma_start3A_74 = arith.constant 0 : i32
        %dma_start3A_75 = tpu.memref_slice %arg10[%add3A_72, %dma_start3A_74] : memref<51200x56xf32, #tpu.memory_space<hbm>> -> memref<40x56xf32, #tpu.memory_space<hbm>>
        %dma_start3A_76 = arith.constant 0 : i32
        %dma_start3A_77 = tpu.memref_slice %arg10[%add3A_72, %dma_start3A_76] : memref<51200x56xf32, #tpu.memory_space<hbm>> -> memref<40x56xf32, #tpu.memory_space<hbm>>
        tpu.enqueue_dma source(%arg21 : memref<40x56xf32, #tpu.memory_space<vmem>>) target(%dma_start3A_77 : memref<40x56xf32, #tpu.memory_space<hbm>>) target_semaphore(%run_scoped3A : memref<!tpu.dma_semaphore, #tpu.memory_space<semaphore_mem>>)
        %dma_wait3A_78 = arith.constant 0 : i32
        %dma_wait3A_79 = tpu.memref_slice %arg10[%add3A_72, %dma_wait3A_78] : memref<51200x56xf32, #tpu.memory_space<hbm>> -> memref<40x56xf32, #tpu.memory_space<hbm>>
        %dma_wait3A_80 = arith.constant 0 : i32
        %dma_wait3A_81 = tpu.memref_slice %arg10[%add3A_72, %dma_wait3A_80] : memref<51200x56xf32, #tpu.memory_space<hbm>> -> memref<40x56xf32, #tpu.memory_space<hbm>>
        tpu.wait_dma2 semaphore(%run_scoped3A : memref<!tpu.dma_semaphore, #tpu.memory_space<semaphore_mem>>) src(%arg21 : memref<40x56xf32, #tpu.memory_space<vmem>>) dst(%dma_wait3A_81 : memref<40x56xf32, #tpu.memory_space<hbm>>)
        tpu.yield
      }) : () -> ()
      %scan3A_73 = arith.constant 0 : i32
      scf.yield %scan3A_73 : i32
    }
    %scan3A_62 = arith.constant 40 : i32
    return
  }
}

module attributes {stable_mosaic.version = 14 : i64} {
  func.func @body(%arg0: i32, %arg1: memref<400x75xf32, #tpu.memory_space<vmem>>, %arg2: memref<75x128xf32, #tpu.memory_space<vmem>>, %arg3: memref<1x128xf32, #tpu.memory_space<vmem>>, %arg4: memref<400x128xf32, #tpu.memory_space<vmem>>) attributes {dimension_semantics = [#tpu.dimension_semantics<arbitrary>], iteration_bounds = array<i64: 125>, scalar_prefetch = 0 : i64, scratch_operands = 0 : i64, tpu.core_type = #tpu.core_type<tc>, window_params = [{transform_indices = @transform_0, window_bounds = array<i64: 400, 75>}, {pipeline_mode = #tpu.pipeline_mode<synchronous>, transform_indices = @transform_1, window_bounds = array<i64: 75, 128>}, {pipeline_mode = #tpu.pipeline_mode<synchronous>, transform_indices = @transform_2, window_bounds = array<i64: 1, 128>}, {transform_indices = @transform_3, window_bounds = array<i64: 400, 128>}]} {
    %get3A = arith.constant 0 : index
    %get3A_0 = arith.constant 0 : index
    %get3A_1 = vector.load %arg1[%get3A, %get3A_0] : memref<400x75xf32, #tpu.memory_space<vmem>>, vector<400x75xf32>
    %get3A_2 = arith.constant 0 : index
    %get3A_3 = arith.constant 0 : index
    %get3A_4 = vector.load %arg2[%get3A_2, %get3A_3] : memref<75x128xf32, #tpu.memory_space<vmem>>, vector<75x128xf32>
    %dot_general3A = arith.constant dense<0.000000e+00> : vector<400x128xf32>
    %dot_general3A_5 = tpu.matmul %get3A_1, %get3A_4, %dot_general3A {dimension_numbers = #tpu.dot_dimension_numbers<[1], [0], [0], [1], [0, 0, 1, 1], [], []>, transpose_lhs_hint = false} : vector<400x75xf32>, vector<75x128xf32>, vector<400x128xf32> -> vector<400x128xf32>
    %get3A_6 = arith.constant 0 : index
    %get3A_7 = arith.constant 0 : index
    %get3A_8 = vector.load %arg3[%get3A_6, %get3A_7] : memref<1x128xf32, #tpu.memory_space<vmem>>, vector<1x128xf32>
    %add3A = vector.broadcast %get3A_8 : vector<1x128xf32> to vector<400x128xf32>
    %add3A_9 = arith.addf %dot_general3A_5, %add3A : vector<400x128xf32>
    %swap3A = arith.constant 0 : index
    %swap3A_10 = arith.constant 0 : index
    %swap3A_11 = vector.load %arg4[%swap3A, %swap3A_10] : memref<400x128xf32, #tpu.memory_space<vmem>>, vector<400x128xf32>
    tpu.vector_store %arg4[%swap3A, %swap3A_10], %add3A_9 {strides = array<i32>} : memref<400x128xf32, #tpu.memory_space<vmem>>, vector<400x128xf32>,
    return
  }
  func.func @transform_0(%arg0: i32) -> (i32, i32) {
    %c0_i32 = arith.constant 0 : i32
    %c0_i32_0 = arith.constant 0 : i32
    return %arg0, %c0_i32 : i32, i32
  }
  func.func @transform_1(%arg0: i32) -> (i32, i32) {
    %c0_i32 = arith.constant 0 : i32
    %c0_i32_0 = arith.constant 0 : i32
    %c0_i32_1 = arith.constant 0 : i32
    return %c0_i32, %c0_i32_0 : i32, i32
  }
  func.func @transform_2(%arg0: i32) -> (i32, i32) {
    %c0_i32 = arith.constant 0 : i32
    %c0_i32_0 = arith.constant 0 : i32
    %c0_i32_1 = arith.constant 0 : i32
    return %c0_i32, %c0_i32_0 : i32, i32
  }
  func.func @transform_3(%arg0: i32) -> (i32, i32) {
    %c0_i32 = arith.constant 0 : i32
    %c0_i32_0 = arith.constant 0 : i32
    return %arg0, %c0_i32 : i32, i32
  }
}

module attributes {stable_mosaic.version = 14 : i64} {
  func.func @body(%arg0: i32, %arg1: memref<2000x16xf32, #tpu.memory_space<vmem>>, %arg2: memref<16x56xf32, #tpu.memory_space<vmem>>, %arg3: memref<1x56xf32, #tpu.memory_space<vmem>>, %arg4: memref<2000x56xf32, #tpu.memory_space<vmem>>) attributes {dimension_semantics = [#tpu.dimension_semantics<arbitrary>], iteration_bounds = array<i64: 400>, scalar_prefetch = 0 : i64, scratch_operands = 0 : i64, tpu.core_type = #tpu.core_type<tc>, window_params = [{transform_indices = @transform_0, window_bounds = array<i64: 2000, 16>}, {pipeline_mode = #tpu.pipeline_mode<synchronous>, transform_indices = @transform_1, window_bounds = array<i64: 16, 56>}, {pipeline_mode = #tpu.pipeline_mode<synchronous>, transform_indices = @transform_2, window_bounds = array<i64: 1, 56>}, {transform_indices = @transform_3, window_bounds = array<i64: 2000, 56>}]} {
    %get3A = arith.constant 0 : index
    %get3A_0 = arith.constant 0 : index
    %get3A_1 = vector.load %arg1[%get3A, %get3A_0] : memref<2000x16xf32, #tpu.memory_space<vmem>>, vector<2000x16xf32>
    %get3A_2 = arith.constant 0 : index
    %get3A_3 = arith.constant 0 : index
    %get3A_4 = vector.load %arg2[%get3A_2, %get3A_3] : memref<16x56xf32, #tpu.memory_space<vmem>>, vector<16x56xf32>
    %dot_general3A = arith.constant dense<0.000000e+00> : vector<2000x56xf32>
    %dot_general3A_5 = tpu.matmul %get3A_1, %get3A_4, %dot_general3A {dimension_numbers = #tpu.dot_dimension_numbers<[1], [0], [0], [1], [0, 0, 1, 1], [], []>, transpose_lhs_hint = false} : vector<2000x16xf32>, vector<16x56xf32>, vector<2000x56xf32> -> vector<2000x56xf32>
    %get3A_6 = arith.constant 0 : index
    %get3A_7 = arith.constant 0 : index
    %get3A_8 = vector.load %arg3[%get3A_6, %get3A_7] : memref<1x56xf32, #tpu.memory_space<vmem>>, vector<1x56xf32>
    %add3A = vector.broadcast %get3A_8 : vector<1x56xf32> to vector<2000x56xf32>
    %add3A_9 = arith.addf %dot_general3A_5, %add3A : vector<2000x56xf32>
    %max3A = arith.constant 0.000000e+00 : f32
    %max3A_10 = vector.broadcast %max3A : f32 to vector<2000x56xf32>
    %max3A_11 = arith.maximumf %add3A_9, %max3A_10 : vector<2000x56xf32>
    %swap3A = arith.constant 0 : index
    %swap3A_12 = arith.constant 0 : index
    %swap3A_13 = vector.load %arg4[%swap3A, %swap3A_12] : memref<2000x56xf32, #tpu.memory_space<vmem>>, vector<2000x56xf32>
    tpu.vector_store %arg4[%swap3A, %swap3A_12], %max3A_11 {strides = array<i32>} : memref<2000x56xf32, #tpu.memory_space<vmem>>, vector<2000x56xf32>,
    return
  }
  func.func @transform_0(%arg0: i32) -> (i32, i32) {
    %c0_i32 = arith.constant 0 : i32
    %c0_i32_0 = arith.constant 0 : i32
    return %arg0, %c0_i32 : i32, i32
  }
  func.func @transform_1(%arg0: i32) -> (i32, i32) {
    %c0_i32 = arith.constant 0 : i32
    %c0_i32_0 = arith.constant 0 : i32
    %c0_i32_1 = arith.constant 0 : i32
    return %c0_i32, %c0_i32_0 : i32, i32
  }
  func.func @transform_2(%arg0: i32) -> (i32, i32) {
    %c0_i32 = arith.constant 0 : i32
    %c0_i32_0 = arith.constant 0 : i32
    %c0_i32_1 = arith.constant 0 : i32
    return %c0_i32, %c0_i32_0 : i32, i32
  }
  func.func @transform_3(%arg0: i32) -> (i32, i32) {
    %c0_i32 = arith.constant 0 : i32
    %c0_i32_0 = arith.constant 0 : i32
    return %arg0, %c0_i32 : i32, i32
  }
}

module attributes {stable_mosaic.version = 14 : i64} {
  func.func @body(%arg0: i32, %arg1: memref<200x75xf32, #tpu.memory_space<vmem>>, %arg2: memref<200x56xf32, #tpu.memory_space<vmem>>, %arg3: memref<75x50xf32, #tpu.memory_space<vmem>>, %arg4: memref<1x50xf32, #tpu.memory_space<vmem>>, %arg5: memref<50x50xf32, #tpu.memory_space<vmem>>, %arg6: memref<56x50xf32, #tpu.memory_space<vmem>>, %arg7: memref<1x50xf32, #tpu.memory_space<vmem>>, %arg8: memref<200x50xf32, #tpu.memory_space<vmem>>) attributes {dimension_semantics = [#tpu.dimension_semantics<arbitrary>], iteration_bounds = array<i64: 250>, scalar_prefetch = 0 : i64, scratch_operands = 0 : i64, tpu.core_type = #tpu.core_type<tc>, window_params = [{transform_indices = @transform_0, window_bounds = array<i64: 200, 75>}, {transform_indices = @transform_1, window_bounds = array<i64: 200, 56>}, {pipeline_mode = #tpu.pipeline_mode<synchronous>, transform_indices = @transform_2, window_bounds = array<i64: 75, 50>}, {pipeline_mode = #tpu.pipeline_mode<synchronous>, transform_indices = @transform_3, window_bounds = array<i64: 1, 50>}, {pipeline_mode = #tpu.pipeline_mode<synchronous>, transform_indices = @transform_4, window_bounds = array<i64: 50, 50>}, {pipeline_mode = #tpu.pipeline_mode<synchronous>, transform_indices = @transform_5, window_bounds = array<i64: 56, 50>}, {pipeline_mode = #tpu.pipeline_mode<synchronous>, transform_indices = @transform_6, window_bounds = array<i64: 1, 50>}, {transform_indices = @transform_7, window_bounds = array<i64: 200, 50>}]} {
    %get3A = arith.constant 0 : index
    %get3A_0 = arith.constant 0 : index
    %get3A_1 = vector.load %arg1[%get3A, %get3A_0] : memref<200x75xf32, #tpu.memory_space<vmem>>, vector<200x75xf32>
    %get3A_2 = arith.constant 0 : index
    %get3A_3 = arith.constant 0 : index
    %get3A_4 = vector.load %arg3[%get3A_2, %get3A_3] : memref<75x50xf32, #tpu.memory_space<vmem>>, vector<75x50xf32>
    %dot_general3A = arith.constant dense<0.000000e+00> : vector<200x50xf32>
    %dot_general3A_5 = tpu.matmul %get3A_1, %get3A_4, %dot_general3A {dimension_numbers = #tpu.dot_dimension_numbers<[1], [0], [0], [1], [0, 0, 1, 1], [], []>, transpose_lhs_hint = false} : vector<200x75xf32>, vector<75x50xf32>, vector<200x50xf32> -> vector<200x50xf32>
    %get3A_6 = arith.constant 0 : index
    %get3A_7 = arith.constant 0 : index
    %get3A_8 = vector.load %arg4[%get3A_6, %get3A_7] : memref<1x50xf32, #tpu.memory_space<vmem>>, vector<1x50xf32>
    %add3A = vector.broadcast %get3A_8 : vector<1x50xf32> to vector<200x50xf32>
    %add3A_9 = arith.addf %dot_general3A_5, %add3A : vector<200x50xf32>
    %max3A = arith.constant 0.000000e+00 : f32
    %max3A_10 = vector.broadcast %max3A : f32 to vector<200x50xf32>
    %max3A_11 = arith.maximumf %add3A_9, %max3A_10 : vector<200x50xf32>
    %get3A_12 = arith.constant 0 : index
    %get3A_13 = arith.constant 0 : index
    %get3A_14 = vector.load %arg5[%get3A_12, %get3A_13] : memref<50x50xf32, #tpu.memory_space<vmem>>, vector<50x50xf32>
    %dot_general3A_15 = arith.constant dense<0.000000e+00> : vector<200x50xf32>
    %dot_general3A_16 = tpu.matmul %max3A_11, %get3A_14, %dot_general3A_15 {dimension_numbers = #tpu.dot_dimension_numbers<[1], [0], [0], [1], [0, 0, 1, 1], [], []>, transpose_lhs_hint = false} : vector<200x50xf32>, vector<50x50xf32>, vector<200x50xf32> -> vector<200x50xf32>
    %get3A_17 = arith.constant 0 : index
    %get3A_18 = arith.constant 0 : index
    %get3A_19 = vector.load %arg2[%get3A_17, %get3A_18] : memref<200x56xf32, #tpu.memory_space<vmem>>, vector<200x56xf32>
    %get3A_20 = arith.constant 0 : index
    %get3A_21 = arith.constant 0 : index
    %get3A_22 = vector.load %arg6[%get3A_20, %get3A_21] : memref<56x50xf32, #tpu.memory_space<vmem>>, vector<56x50xf32>
    %dot_general3A_23 = arith.constant dense<0.000000e+00> : vector<200x50xf32>
    %dot_general3A_24 = tpu.matmul %get3A_19, %get3A_22, %dot_general3A_23 {dimension_numbers = #tpu.dot_dimension_numbers<[1], [0], [0], [1], [0, 0, 1, 1], [], []>, transpose_lhs_hint = false} : vector<200x56xf32>, vector<56x50xf32>, vector<200x50xf32> -> vector<200x50xf32>
    %add3A_25 = arith.addf %dot_general3A_16, %dot_general3A_24 : vector<200x50xf32>
    %get3A_26 = arith.constant 0 : index
    %get3A_27 = arith.constant 0 : index
    %get3A_28 = vector.load %arg7[%get3A_26, %get3A_27] : memref<1x50xf32, #tpu.memory_space<vmem>>, vector<1x50xf32>
    %add3A_29 = vector.broadcast %get3A_28 : vector<1x50xf32> to vector<200x50xf32>
    %add3A_30 = arith.addf %add3A_25, %add3A_29 : vector<200x50xf32>
    %max3A_31 = arith.constant 0.000000e+00 : f32
    %max3A_32 = vector.broadcast %max3A_31 : f32 to vector<200x50xf32>
    %max3A_33 = arith.maximumf %add3A_30, %max3A_32 : vector<200x50xf32>
    %swap3A = arith.constant 0 : index
    %swap3A_34 = arith.constant 0 : index
    %swap3A_35 = vector.load %arg8[%swap3A, %swap3A_34] : memref<200x50xf32, #tpu.memory_space<vmem>>, vector<200x50xf32>
    tpu.vector_store %arg8[%swap3A, %swap3A_34], %max3A_33 {strides = array<i32>} : memref<200x50xf32, #tpu.memory_space<vmem>>, vector<200x50xf32>,
    return
  }
  func.func @transform_0(%arg0: i32) -> (i32, i32) {
    %c0_i32 = arith.constant 0 : i32
    %c0_i32_0 = arith.constant 0 : i32
    return %arg0, %c0_i32 : i32, i32
  }
  func.func @transform_1(%arg0: i32) -> (i32, i32) {
    %jit3A = arith.constant 125 : i32
    %div3A = arith.divsi %arg0, %jit3A : i32
    %sign3A = arith.constant 0 : i32
    %sign3A_0 = arith.cmpi sgt, %arg0, %sign3A : i32
    %sign3A_1 = arith.extui %sign3A_0 : i1 to i32
    %sign3A_2 = arith.constant 0 : i32
    %sign3A_3 = arith.cmpi slt, %arg0, %sign3A_2 : i32
    %sign3A_4 = arith.extui %sign3A_3 : i1 to i32
    %sign3A_5 = arith.subi %sign3A_1, %sign3A_4 : i32
    %sign3A_6 = arith.constant 0 : i32
    %sign3A_7 = arith.cmpi sgt, %jit3A, %sign3A_6 : i32
    %sign3A_8 = arith.extui %sign3A_7 : i1 to i32
    %sign3A_9 = arith.constant 0 : i32
    %sign3A_10 = arith.cmpi slt, %jit3A, %sign3A_9 : i32
    %sign3A_11 = arith.extui %sign3A_10 : i1 to i32
    %sign3A_12 = arith.subi %sign3A_8, %sign3A_11 : i32
    %ne3A = arith.cmpi ne, %sign3A_5, %sign3A_12 : i32
    %rem3A = arith.remsi %arg0, %jit3A : i32
    %ne3A_13 = arith.constant 0 : i32
    %ne3A_14 = arith.cmpi ne, %rem3A, %ne3A_13 : i32
    %and3A = arith.andi %ne3A, %ne3A_14 : i1
    %sub3A = arith.constant 1 : i32
    %sub3A_15 = arith.subi %div3A, %sub3A : i32
    %select_n3A = arith.select %and3A, %sub3A_15, %div3A : i32
    %mul3A = arith.constant 128 : i32
    %mul3A_16 = arith.muli %mul3A, %select_n3A : i32
    %jit3A_17 = arith.constant 125 : i32
    %eq3A = arith.constant 0 : i32
    %eq3A_18 = arith.cmpi eq, %jit3A_17, %eq3A : i32
    %jit3A_19 = arith.constant 1 : i32
    %select_n3A_20 = arith.select %eq3A_18, %jit3A_19, %jit3A_17 : i32
    %rem3A_21 = arith.remsi %arg0, %select_n3A_20 : i32
    %ne3A_22 = arith.constant 0 : i32
    %ne3A_23 = arith.cmpi ne, %rem3A_21, %ne3A_22 : i32
    %lt3A = arith.constant 0 : i32
    %lt3A_24 = arith.cmpi slt, %rem3A_21, %lt3A : i32
    %lt3A_25 = arith.constant 0 : i32
    %lt3A_26 = arith.cmpi slt, %select_n3A_20, %lt3A_25 : i32
    %ne3A_27 = arith.xori %lt3A_24, %lt3A_26 : i1
    %and3A_28 = arith.andi %ne3A_27, %ne3A_23 : i1
    %add3A = arith.addi %rem3A_21, %select_n3A_20 : i32
    %select_n3A_29 = arith.select %and3A_28, %add3A, %rem3A_21 : i32
    %add3A_30 = arith.addi %mul3A_16, %select_n3A_29 : i32
    %c0_i32 = arith.constant 0 : i32
    %c0_i32_31 = arith.constant 0 : i32
    return %add3A_30, %c0_i32 : i32, i32
  }
  func.func @transform_2(%arg0: i32) -> (i32, i32) {
    %c0_i32 = arith.constant 0 : i32
    %c0_i32_0 = arith.constant 0 : i32
    %c0_i32_1 = arith.constant 0 : i32
    return %c0_i32, %c0_i32_0 : i32, i32
  }
  func.func @transform_3(%arg0: i32) -> (i32, i32) {
    %c0_i32 = arith.constant 0 : i32
    %c0_i32_0 = arith.constant 0 : i32
    %c0_i32_1 = arith.constant 0 : i32
    return %c0_i32, %c0_i32_0 : i32, i32
  }
  func.func @transform_4(%arg0: i32) -> (i32, i32) {
    %c0_i32 = arith.constant 0 : i32
    %c0_i32_0 = arith.constant 0 : i32
    %c0_i32_1 = arith.constant 0 : i32
    return %c0_i32, %c0_i32_0 : i32, i32
  }
  func.func @transform_5(%arg0: i32) -> (i32, i32) {
    %c0_i32 = arith.constant 0 : i32
    %c0_i32_0 = arith.constant 0 : i32
    %c0_i32_1 = arith.constant 0 : i32
    return %c0_i32, %c0_i32_0 : i32, i32
  }
  func.func @transform_6(%arg0: i32) -> (i32, i32) {
    %c0_i32 = arith.constant 0 : i32
    %c0_i32_0 = arith.constant 0 : i32
    %c0_i32_1 = arith.constant 0 : i32
    return %c0_i32, %c0_i32_0 : i32, i32
  }
  func.func @transform_7(%arg0: i32) -> (i32, i32) {
    %c0_i32 = arith.constant 0 : i32
    %c0_i32_0 = arith.constant 0 : i32
    return %arg0, %c0_i32 : i32, i32
  }
}

module attributes {stable_mosaic.version = 14 : i64} {
  func.func @body(%arg0: i32, %arg1: memref<2000x16xf32, #tpu.memory_space<vmem>>, %arg2: memref<2000x64xf32, #tpu.memory_space<vmem>>, %arg3: memref<16x50xf32, #tpu.memory_space<vmem>>, %arg4: memref<1x50xf32, #tpu.memory_space<vmem>>, %arg5: memref<64x50xf32, #tpu.memory_space<vmem>>, %arg6: memref<50x50xf32, #tpu.memory_space<vmem>>, %arg7: memref<1x50xf32, #tpu.memory_space<vmem>>, %arg8: memref<2000x50xf32, #tpu.memory_space<vmem>>) attributes {dimension_semantics = [#tpu.dimension_semantics<arbitrary>], iteration_bounds = array<i64: 400>, scalar_prefetch = 0 : i64, scratch_operands = 0 : i64, tpu.core_type = #tpu.core_type<tc>, window_params = [{transform_indices = @transform_0, window_bounds = array<i64: 2000, 16>}, {transform_indices = @transform_1, window_bounds = array<i64: 2000, 64>}, {pipeline_mode = #tpu.pipeline_mode<synchronous>, transform_indices = @transform_2, window_bounds = array<i64: 16, 50>}, {pipeline_mode = #tpu.pipeline_mode<synchronous>, transform_indices = @transform_3, window_bounds = array<i64: 1, 50>}, {pipeline_mode = #tpu.pipeline_mode<synchronous>, transform_indices = @transform_4, window_bounds = array<i64: 64, 50>}, {pipeline_mode = #tpu.pipeline_mode<synchronous>, transform_indices = @transform_5, window_bounds = array<i64: 50, 50>}, {pipeline_mode = #tpu.pipeline_mode<synchronous>, transform_indices = @transform_6, window_bounds = array<i64: 1, 50>}, {transform_indices = @transform_7, window_bounds = array<i64: 2000, 50>}]} {
    %get3A = arith.constant 0 : index
    %get3A_0 = arith.constant 0 : index
    %get3A_1 = vector.load %arg1[%get3A, %get3A_0] : memref<2000x16xf32, #tpu.memory_space<vmem>>, vector<2000x16xf32>
    %get3A_2 = arith.constant 0 : index
    %get3A_3 = arith.constant 0 : index
    %get3A_4 = vector.load %arg3[%get3A_2, %get3A_3] : memref<16x50xf32, #tpu.memory_space<vmem>>, vector<16x50xf32>
    %dot_general3A = arith.constant dense<0.000000e+00> : vector<2000x50xf32>
    %dot_general3A_5 = tpu.matmul %get3A_1, %get3A_4, %dot_general3A {dimension_numbers = #tpu.dot_dimension_numbers<[1], [0], [0], [1], [0, 0, 1, 1], [], []>, transpose_lhs_hint = false} : vector<2000x16xf32>, vector<16x50xf32>, vector<2000x50xf32> -> vector<2000x50xf32>
    %get3A_6 = arith.constant 0 : index
    %get3A_7 = arith.constant 0 : index
    %get3A_8 = vector.load %arg4[%get3A_6, %get3A_7] : memref<1x50xf32, #tpu.memory_space<vmem>>, vector<1x50xf32>
    %add3A = vector.broadcast %get3A_8 : vector<1x50xf32> to vector<2000x50xf32>
    %add3A_9 = arith.addf %dot_general3A_5, %add3A : vector<2000x50xf32>
    %max3A = arith.constant 0.000000e+00 : f32
    %max3A_10 = vector.broadcast %max3A : f32 to vector<2000x50xf32>
    %max3A_11 = arith.maximumf %add3A_9, %max3A_10 : vector<2000x50xf32>
    %get3A_12 = arith.constant 0 : index
    %get3A_13 = arith.constant 0 : index
    %get3A_14 = vector.load %arg2[%get3A_12, %get3A_13] : memref<2000x64xf32, #tpu.memory_space<vmem>>, vector<2000x64xf32>
    %get3A_15 = arith.constant 0 : index
    %get3A_16 = arith.constant 0 : index
    %get3A_17 = vector.load %arg5[%get3A_15, %get3A_16] : memref<64x50xf32, #tpu.memory_space<vmem>>, vector<64x50xf32>
    %dot_general3A_18 = arith.constant dense<0.000000e+00> : vector<2000x50xf32>
    %dot_general3A_19 = tpu.matmul %get3A_14, %get3A_17, %dot_general3A_18 {dimension_numbers = #tpu.dot_dimension_numbers<[1], [0], [0], [1], [0, 0, 1, 1], [], []>, transpose_lhs_hint = false} : vector<2000x64xf32>, vector<64x50xf32>, vector<2000x50xf32> -> vector<2000x50xf32>
    %get3A_20 = arith.constant 0 : index
    %get3A_21 = arith.constant 0 : index
    %get3A_22 = vector.load %arg6[%get3A_20, %get3A_21] : memref<50x50xf32, #tpu.memory_space<vmem>>, vector<50x50xf32>
    %dot_general3A_23 = arith.constant dense<0.000000e+00> : vector<2000x50xf32>
    %dot_general3A_24 = tpu.matmul %max3A_11, %get3A_22, %dot_general3A_23 {dimension_numbers = #tpu.dot_dimension_numbers<[1], [0], [0], [1], [0, 0, 1, 1], [], []>, transpose_lhs_hint = false} : vector<2000x50xf32>, vector<50x50xf32>, vector<2000x50xf32> -> vector<2000x50xf32>
    %add3A_25 = arith.addf %dot_general3A_19, %dot_general3A_24 : vector<2000x50xf32>
    %get3A_26 = arith.constant 0 : index
    %get3A_27 = arith.constant 0 : index
    %get3A_28 = vector.load %arg7[%get3A_26, %get3A_27] : memref<1x50xf32, #tpu.memory_space<vmem>>, vector<1x50xf32>
    %add3A_29 = vector.broadcast %get3A_28 : vector<1x50xf32> to vector<2000x50xf32>
    %add3A_30 = arith.addf %add3A_25, %add3A_29 : vector<2000x50xf32>
    %max3A_31 = arith.constant 0.000000e+00 : f32
    %max3A_32 = vector.broadcast %max3A_31 : f32 to vector<2000x50xf32>
    %max3A_33 = arith.maximumf %add3A_30, %max3A_32 : vector<2000x50xf32>
    %swap3A = arith.constant 0 : index
    %swap3A_34 = arith.constant 0 : index
    %swap3A_35 = vector.load %arg8[%swap3A, %swap3A_34] : memref<2000x50xf32, #tpu.memory_space<vmem>>, vector<2000x50xf32>
    tpu.vector_store %arg8[%swap3A, %swap3A_34], %max3A_33 {strides = array<i32>} : memref<2000x50xf32, #tpu.memory_space<vmem>>, vector<2000x50xf32>,
    return
  }
  func.func @transform_0(%arg0: i32) -> (i32, i32) {
    %c0_i32 = arith.constant 0 : i32
    %c0_i32_0 = arith.constant 0 : i32
    return %arg0, %c0_i32 : i32, i32
  }
  func.func @transform_1(%arg0: i32) -> (i32, i32) {
    %c0_i32 = arith.constant 0 : i32
    %c0_i32_0 = arith.constant 0 : i32
    return %arg0, %c0_i32 : i32, i32
  }
  func.func @transform_2(%arg0: i32) -> (i32, i32) {
    %c0_i32 = arith.constant 0 : i32
    %c0_i32_0 = arith.constant 0 : i32
    %c0_i32_1 = arith.constant 0 : i32
    return %c0_i32, %c0_i32_0 : i32, i32
  }
  func.func @transform_3(%arg0: i32) -> (i32, i32) {
    %c0_i32 = arith.constant 0 : i32
    %c0_i32_0 = arith.constant 0 : i32
    %c0_i32_1 = arith.constant 0 : i32
    return %c0_i32, %c0_i32_0 : i32, i32
  }
  func.func @transform_4(%arg0: i32) -> (i32, i32) {
    %c0_i32 = arith.constant 0 : i32
    %c0_i32_0 = arith.constant 0 : i32
    %c0_i32_1 = arith.constant 0 : i32
    return %c0_i32, %c0_i32_0 : i32, i32
  }
  func.func @transform_5(%arg0: i32) -> (i32, i32) {
    %c0_i32 = arith.constant 0 : i32
    %c0_i32_0 = arith.constant 0 : i32
    %c0_i32_1 = arith.constant 0 : i32
    return %c0_i32, %c0_i32_0 : i32, i32
  }
  func.func @transform_6(%arg0: i32) -> (i32, i32) {
    %c0_i32 = arith.constant 0 : i32
    %c0_i32_0 = arith.constant 0 : i32
    %c0_i32_1 = arith.constant 0 : i32
    return %c0_i32, %c0_i32_0 : i32, i32
  }
  func.func @transform_7(%arg0: i32) -> (i32, i32) {
    %c0_i32 = arith.constant 0 : i32
    %c0_i32_0 = arith.constant 0 : i32
    return %arg0, %c0_i32 : i32, i32
  }
}

</mosaic_0001>

<sc_bundles>
// kernel: kernel.7.cloned.1.call-start
scs
__scs_entry_jumppad:
0x0: {  	(pc) =	sbr.rel $0x88, $3  }
0x1: {  	(tag) =	ssettag $0x0;
	lr =	simm.s32 $0x1  }
0x2: {  	[smem:$0x3F91] =	sst lr;
	_ =	strace $0xD0000000  }
0x3: {  	_ = 	snop  }
0x4: {  	_ = 	snop  }
0x5: {  	_ = 	snop  }
0x6: {  	_ = 	snop  }
0x7: {  	_ = 	snop  }
__scs_overlays_trampoline_lowered:
0x8: {  	[smem:$0x3FA0] =	sst s0  }
0x9: {  	[smem:$0x3FA1] =	sst s1  }
0xa: {  	[smem:$0x3FA2] =	sst s2  }
0xb: {  	[smem:$0x3FA3] =	sst s3  }
0xc: {  	[smem:$0x3FA4] =	sst s4  }
0xd: {  	[smem:$0x3FA5] =	sst s5  }
0xe: {  	[smem:$0x3FA6] =	sst s6  }
0xf: {  	[smem:$0x3FA7] =	sst s7  }
0x10: {  	[smem:$0x3FA8] =	sst s8  }
0x11: {  	[smem:$0x3FA9] =	sst s9;
	s0 =	simm.s32 @!p0 $0x0  }
0x12: {  	s1 =	sld [smem:$0x3F8F];
	s0 =	simm.s32 @p0 $0x1  }
0x13: {  	[smem:$0x3FAA] =	sst s0;
	s0 =	simm.s32 @!p1 $0x0  }
0x14: {  	s2 =	sld [smem:$0x3F8E];
	s0 =	simm.s32 @p1 $0x1  }
0x15: {  	[smem:$0x3FAB] =	sst s0;
	s0 =	simm.s32 @!p2 $0x0  }
0x16: {  	s3 =	sld [smem:$0x3FDB];
	s0 =	simm.s32 @p2 $0x1  }
0x17: {  	s4 =	simm.s32 $0x1BF5;
	[smem:$0x3FAD] =	sst s0  }
0x18: {  	s0 =	sld [smem:$0x3F90];
	_ =	swait.ge [sflag:s4], $0x0  }
0x19: {  	s7 =	sld [smem:$0x3F91]  }
0x1a: {  	s8 =	sadd.s32 $0xFFFFE003, lr  }
0x1b: {  	s9 =	sadd.s32 $0xFFFFFEF7, lr;
	s5 =	simm.s32 $0xFFFFFFFF;
	p2 =	slt.u32 s8, $0xFFFFF086  }
0x1c: {  	p1 =	slt.u32 s9, $0xF7A;
	s5 =	simm.s32 @!p2 $0x0  }
0x1d: {  	s5 =	simm.s32 @p1 $0x1;
	p0 =	seq.s32 s7, s2  }
0x1e: {  	s7 =	smul.u32 @!p0 $0xF7A, s2;
	p2 =	seq.s32 @!p0 s5, $0x0  }
0x1f: {  	s9 =	smul.u32 $0xF7A, s1;
	s8 =	simm.s32 @!p0 $0x1BF5;
	p2 =	por !p2, p0  }
0x20: {  	[sflag:s8] =	ssyncset.s32 @!p0 $0xFFFFF086;
	s6 =	sadd.s32 @!p0 s3, s7;
	s7 =	simm.s32 @!p0 $0x108  }
0x21: {  	s3 =	sadd.s32 s3, s9;
	s6 =	sadd.s32 @!p0 $0x88, s6;
	s7 =	simm.s32 @p2 $0x1082  }
0x22: {  	[simem:s7], [sflag:s8] =	dma.local @!p0 [hbm:s6], $0xF7A  }
0x23: {  	s9 =	sor.u32 $0xD0000000, s2;
	s6 =	simm.s32 $0x108;
	_ =	swait.ge @!p0 [sflag:s8], $0x0  }
0x24: {  	s3 =	sadd.s32 $0x88, s3;
	s6 =	simm.s32 @!p1 $0x1082;
	[sflag:s4] =	ssyncset.s32 $0xFFFFF086  }
0x25: {  	[simem:s6], [sflag:s4] =	dma.local [hbm:s3], $0xF7A  }
0x26: {  	[smem:$0x3F91] =	sst s1;
	(tag) =	ssettag s2;
	_ =	strace s9  }
0x27: {  	s1 =	sld [smem:$0x3FA1]  }
0x28: {  	s2 =	sld [smem:$0x3FA2]  }
0x29: {  	s4 =	sld [smem:$0x3FA4]  }
0x2a: {  	p0 =	seq.s32 s5, $0x0;
	s5 =	sld [smem:$0x3FA5]  }
0x2b: {  	s6 =	sld [smem:$0x3FA6]  }
0x2c: {  	s7 =	sld [smem:$0x3FA7]  }
0x2d: {  	s3 =	simm.s32 $0x108;
	s8 =	sld [smem:$0x3FA8]  }
0x2e: {  	s3 =	simm.s32 @!p0 $0x1082;
	s9 =	sld [smem:$0x3FA9]  }
0x2f: {  	lr =	sadd.s32 s0, s3;
	s0 =	sld [smem:$0x3FA0]  }
0x30: {  	s3 =	sld [smem:$0x3FA3]  }
0x31: {  	[smem:$0x3FAC] =	sst s10  }
0x32: {  	s10 =	sld [smem:$0x3FAA];
	_ =	sdelay $0x3  }
0x33: {  	p0 =	seq.s32 s10, $0x1;
	s10 =	sld [smem:$0x3FAC];
	_ =	sdelay $0x3  }
0x34: {  	[smem:$0x3FAC] =	sst s10  }
0x35: {  	s10 =	sld [smem:$0x3FAB];
	_ =	sdelay $0x3  }
0x36: {  	p1 =	seq.s32 s10, $0x1;
	s10 =	sld [smem:$0x3FAC];
	_ =	sdelay $0x3  }
0x37: {  	[smem:$0x3FAC] =	sst s10  }
0x38: {  	s10 =	sld [smem:$0x3FAD]  }
0x39: {  	_ = 	snop;
	(pc) =	sbr.ind lr, $3  }
0x3a: {  	_ = 	snop  }
0x3b: {  	_ = 	snop  }
0x3c: {  	p2 =	seq.s32 s10, $0x1;
	s10 =	sld [smem:$0x3FAC]  }
0x3d: {  	_ =	shalt  }
0x3e: {  	_ =	shalt  }
0x3f: {  	_ =	shalt  }
0x40: {  	_ =	shalt  }
0x41: {  	_ =	shalt  }
0x42: {  	_ =	shalt  }
0x43: {  	_ =	shalt  }
0x44: {  	_ =	shalt  }
0x45: {  	_ =	shalt  }
0x46: {  	_ =	shalt  }
0x47: {  	_ =	shalt  }
0x48: {  	_ =	shalt  }
0x49: {  	_ =	shalt  }
0x4a: {  	_ =	shalt  }
0x4b: {  	_ =	shalt  }
0x4c: {  	_ =	shalt  }
0x4d: {  	_ =	shalt  }
0x4e: {  	_ =	shalt  }
0x4f: {  	_ =	shalt  }
0x50: {  	_ =	shalt  }
0x51: {  	_ =	shalt  }
0x52: {  	_ =	shalt  }
0x53: {  	_ =	shalt  }
0x54: {  	_ =	shalt  }
0x55: {  	_ =	shalt  }
0x56: {  	_ =	shalt  }
0x57: {  	_ =	shalt  }
0x58: {  	_ =	shalt  }
0x59: {  	_ =	shalt  }
0x5a: {  	_ =	shalt  }
0x5b: {  	_ =	shalt  }
0x5c: {  	_ =	shalt  }
0x5d: {  	_ =	shalt  }
0x5e: {  	_ =	shalt  }
0x5f: {  	_ =	shalt  }
0x60: {  	_ =	shalt  }
0x61: {  	_ =	shalt  }
0x62: {  	_ =	shalt  }
0x63: {  	_ =	shalt  }
0x64: {  	_ =	shalt  }
0x65: {  	_ =	shalt  }
0x66: {  	_ =	shalt  }
0x67: {  	_ =	shalt  }
0x68: {  	_ =	shalt  }
0x69: {  	_ =	shalt  }
0x6a: {  	_ =	shalt  }
0x6b: {  	_ =	shalt  }
0x6c: {  	_ =	shalt  }
0x6d: {  	_ =	shalt  }
0x6e: {  	_ =	shalt  }
0x6f: {  	_ =	shalt  }
0x70: {  	_ =	shalt  }
0x71: {  	_ =	shalt  }
0x72: {  	_ =	shalt  }
0x73: {  	_ =	shalt  }
0x74: {  	_ =	shalt  }
0x75: {  	_ =	shalt  }
0x76: {  	_ =	shalt  }
0x77: {  	_ =	shalt  }
0x78: {  	_ =	shalt  }
0x79: {  	_ =	shalt  }
0x7a: {  	_ =	shalt  }
0x7b: {  	_ =	shalt  }
0x7c: {  	_ =	shalt  }
0x7d: {  	_ =	shalt  }
0x7e: {  	_ =	shalt  }
0x7f: {  	_ =	shalt  }
0x80: {  	_ =	shalt  }
0x81: {  	_ =	shalt  }
0x82: {  	_ =	shalt  }
0x83: {  	_ =	shalt  }
0x84: {  	_ =	shalt  }
0x85: {  	_ =	shalt  }
0x86: {  	_ =	shalt  }
0x87: {  	_ =	shalt  }
.Lfunc_end0:
.L_simem_size_0:
called_computation_lowered:
.L_overlay_start_0:
0x88: {  	s2 =	sld [smem:$0x3FD9]  }
0x89: {  	s3 =	sld [smem:$0x3FFE];
	_ =	sdelay $0x1  }
0x8a: {  	s1 =	srdreg.scid  }
0x8b: {  	s0 =	sand.u32 $0x1, s1  }
0x8c: {  	s14 =	sshll.u32 s0, $0xA;
	s2 =	sadd.s32 s3, s2  }
0x8d: {  	s2 =	sadd.s32 s2, s14  }
0x8e: {  	[smem:$0x3FB8] =	sst s2  }
0x8f: {  	_ = 	snop  }
0x90: {  	s2 =	sld [smem:$0x3FD0];
	_ =	sdelay $0x2  }
0x91: {  	s15 =	simm.s32 $0xA;
	s4 =	simm.s32 $0x10  }
0x92: {  	[smem:s4], [sflag:s15] =	dma.local [hbm:s2], $0x1  }
0x93: {  	_ =	swait.eq [sflag:s15], $0x1  }
0x94: {  	[sflag:s15] =	ssyncset.done $0x0  }
0x95: {  	s16 =	sld [smem:$0x10];
	[sflag:s15] =	ssyncadd.s32 $0xFFFFFFFF  }
0x96: {  	s17 =	sld [smem:$0x11];
	(tm) =	ssettm $0x1  }
0x97: {  	s18 =	sld [smem:$0x3FFB];
	_ =	sdelay $0x3  }
0x98: {  	_ =	strace s18  }
0x99: {  	s4 =	sld [smem:$0x3FFC];
	_ =	sdelay $0x3  }
0x9a: {  	_ =	strace s4  }
0x9b: {  	s4 =	sld [smem:$0x3FFD];
	_ =	sdelay $0x3  }
0x9c: {  	_ =	strace s4  }
0x9d: {  	_ =	strace $0x8FFFFFFF  }
0x9e: {  	s19 =	sld [smem:$0x3FDB];
	_ =	sdelay $0x1  }
0x9f: {  	s5 =	simm.s32 $_scs_section_size  }
0xa0: {  	s6 =	simm.s32 $_size__tile_overlayer_lowered;
	s7 =	simm.s32 $_tile_overlayer_lowered  }
0xa1: {  	s22 =	simm.s32 $0x1BFF;
	s21 =	sshll.u32 s7, $0x1;
	s4 =	sadd.s32 s5, s19  }
0xa2: {  	s8 =	simm.s32 $0x0;
	s20 =	sshll.u32 s6, $0x1;
	s6 =	sadd.s32 s21, s4  }
0xa3: {  	[timem:s8], [sflag:s22] =	dma.local [hbm:s6], s20  }
0xa4: {  	_ =	swait.ge [sflag:s22], s20  }
0xa5: {  	s5 =	ssub.s32 $0x0, s20;
	[sflag:s22] =	ssyncset.done $0x0  }
0xa6: {  	[sflag:s22] =	ssyncadd.s32 s5;
	_ =	sdelay $0x1  }
0xa7: {  	s23 =	simm.s32 $0x1B8B  }
0xa8: {  	_ =	swait.ge [sflag:s23], $0x1  }
0xa9: {  	[sflag:s23] =	ssyncset.done $0x0  }
0xaa: {  	s25 =	simm.s32 $0x1B8E;
	s24 =	sld [smem:$0x3FFE];
	[sflag:s23] =	ssyncadd.s32 $0xFFFFFFFF  }
0xab: {  	s26 =	simm.s32 $execute0_lowered;
	[smem:$0x3FD2] =	sst s25  }
0xac: {  	s6 =	sshll.u32 s26, $0x1;
	_ =	strace $0x80000046;
	[dreg:$0x1] =	wrdreg $0xFFFFFFFF  }
0xad: {  	s28 =	simm.s32 $_size_execute0_lowered;
	s4 =	sadd.s32 s4, s6;
	[dreg:$0x0] =	wrdreg $0x0  }
0xae: {  	s6 =	sshll.u32 s28, $0x1;
	[dreg:$0x2] =	wrdreg s4  }
0xaf: {  	[dreg:$0x3] =	wrdreg s6  }
0xb0: {  	[dreg:$0x4] =	wrdreg $0xC0  }
0xb1: {  	_ =	task [dreg:s8], $0x5FFFF  }
0xb2: {  	[dreg:$0x1] =	wrdreg $0xFFFFFFFF  }
0xb3: {  	[dreg:$0x0] =	wrdreg $0x60  }
0xb4: {  	[dreg:$0x2] =	wrdreg s24  }
0xb5: {  	[dreg:$0x3] =	wrdreg s16  }
0xb6: {  	[dreg:$0x4] =	wrdreg s17  }
0xb7: {  	[dreg:$0x5] =	wrdreg $0x8F000  }
0xb8: {  	[dreg:$0x6] =	wrdreg $0x9  }
0xb9: {  	_ =	task.clear_ibuf [dreg:s8], $0x7FFFF;
	_ =	strace $0x90000046  }
0xba: {  	s29 =	simm.s32 $0x9;
	_ =	strace $0x80000048  }
0xbb: {  	_ =	swait.ge [sflag:s29], $0x1  }
0xbc: {  	[sflag:s29] =	ssyncadd.s32 $0xFFFFFFFF  }
0xbd: {  	_ =	strace $0x90000048  }
0xbe: {  	_ =	sfence  }
0xbf: {  	s30 =	sld [smem:$0x0];
	_ =	sdelay $0x2  }
0xc0: {  	s31 =	sshll.u32 s1, $0xD;
	s1 =	sshrl.u32 s1, $0x2  }
0xc1: {  	s3 =	sand.u32 $0x4000, s31;
	s1 =	sadd.s32 s1, s30  }
0xc2: {  	s0 =	sor.u32 s3, s0;
	s1 =	sshll.u32 s1, $0x11  }
0xc3: {  	s0 =	sor.u32 s1, s0  }
0xc4: {  	s0 =	sadd.s32 $0x8F2B, s0  }
0xc5: {  	[sflag:s0] =	ssyncadd.remote.s32 $0x1  }
0xc6: {  	_ =	sfence.sel $0xFFFF  }
0xc7: {  	[dreg:$0x0] =	wrdreg $0xFFFFFFFF;
	(pc) =	sbr.abs _section_cstart, $3  }
0xc8: {  	[dreg:$0x1] =	wrdreg $0xFFFFFFFF  }
0xc9: {  	_ =	task.clear_ibuf [dreg:s8], $0x2FFFF;
	_ =	strace $0x9FFFFFFF  }
0xca: {  	(tm) =	ssettm $0x7FFFFFFF  }
0xcb: {  	_ =	shalt  }
tec
execute0_lowered:
.L_overlay_start_1:
0x0: {  	(tag) =	ssettag $0x1  }
0x1: {  	s0 =	rddreg [dreg:$0x0]  }
0x2: {  	s1 =	rddreg [dreg:$0x1]  }
0x3: {  	s4 =	rddreg [dreg:$0x2]  }
0x4: {  	s2 =	rddreg [dreg:$0x3];
	s3 =	simm.s32 $0x0  }
0x5: {  	s20 =	stileid.u32;
	s7 =	srdreg.scid;
	s28 =	simm.s32 $0x80  }
0x6: {  	s29 =	simm.s32 $0x28;
	s31 =	simm.s32 $0x1500;
	s5 =	sadd.s32 $0xD2BC00, s0  }
0x7: {  	[smem:$0x7FF] =	sst s3;
	s6 =	sadd.s32 $0xD13400, s0;
	s8 =	smul.u32 $0xC8, s20  }
0x8: {  	s11 =	sand.u32 $0x1, s7;
	s9 =	sshll.u32 s20, $0x1;
	s16 =	smul.u32 $0xC350, s20  }
0x9: {  	s7 =	sadd.s32 $0xCFAC00, s0;
	s19 =	sadd.s32 $0x1C00, s0;
	s17 =	smul.u32 $0xC3500, s11  }
0xa: {  	_ =	strace $0x80000047;
	[dreg:$0x5] =	wrdreg s19;
	s19 =	smul.u32 $0xC3500, s20  }
0xb: {  	s13 =	sor.u32 s11, s9;
	s21 =	ssub.s32 $0x2, s11;
	s11 =	smul.u32 $0x64000, s11  }
0xc: {  	s12 =	sadd.s32 $0xDEF200, s0;
	s10 =	sadd.s32 $0x1A25000, s0;
	s20 =	smul.u32 $0x6400, s20  }
0xd: {  	s8 =	sadd.s32 s8, s0;
	s9 =	smul.u32 $0x61A8, s13;
	s22 =	sshrl.u32 s21, $0x1  }
0xe: {  	s14 =	smul.u32 $0x30D400, s13;
	s30 =	sadd.s32 $0xC328, s16;
	s0 =	ssub.s32 s21, s22  }
0xf: {  	s18 =	sadd.s32 s16, s17;
	s19 =	sadd.s32 s12, s19;
	s16 =	sadd.s32 s17, s30  }
0x10: {  	s21 =	sadd.s32 $0x1A24200, s8;
	s17 =	simm.s32 $0x7B00;
	s15 =	sshrl.u32 s9, $0x3  }
0x11: {  	s13 =	sadd.s32 $0x28, s9;
	s14 =	sshrl.u32 s14, $0x3;
	s26 =	sshrl.u32 s18, $0x3  }
0x12: {  	s16 =	sshrl.u32 s16, $0x3;
	s0 =	smax.u32 s0, $0x1;
	[dreg:$0xa] =	wrdreg s19  }
0x13: {  	s23 =	sadd.s32 s6, s15;
	s24 =	sadd.s32 s7, s15;
	[dreg:$0xc] =	wrdreg s0  }
0x14: {  	s25 =	sadd.s32 s10, s14;
	s14 =	sadd.s32 $0x50, s9;
	[dreg:$0x6] =	wrdreg s23  }
0x15: {  	s22 =	sadd.s32 s1, s16;
	s16 =	simm.s32 $0x2;
	[dreg:$0x7] =	wrdreg s24  }
0x16: {  	s15 =	sadd.s32 $0x61800, s25;
	[dreg:$0xd] =	wrdreg s22;
	s23 =	sadd.s32 s11, s4  }
0x17: {  	s24 =	sadd.s32 $0x28, s18;
	s25 =	sadd.s32 $0x500, s19;
	s4 =	simm.s32 $0x2980  }
0x18: {  	s19 =	simm.s32 $0x6600;
	s11 =	simm.s32 $0x0;
	[dreg:$0x8] =	wrdreg s15  }
0x19: {  	s15 =	sadd.s32 s1, s26;
	s0 =	sadd.s32 s20, s23;
	[dreg:$0xf] =	wrdreg s25  }
0x1a: {  	s26 =	sadd.s32 $0x50, s18;
	s18 =	simm.s32 $0x6680;
	[dreg:$0x9] =	wrdreg s15  }
0x1b: {  	s20 =	simm.s32 $0x7A80;
	s15 =	sshll.u32 s30, $0x4;
	[dreg:$0xe] =	wrdreg s0  }
0x1c: {  	[dreg:$0x10] =	wrdreg s26;
	s30 =	sshrl.u32 s24, $0x3;
	s26 =	simm.s32 $0x3  }
0x1d: {  	s0 =	simm.s32 $0x2900;
	s12 =	sadd.s32 s12, s15;
	s25 =	sadd.s32 s30, s1  }
0x1e: {  	s15 =	simm.s32 $0x5200;
	[dreg:$0xb] =	wrdreg s12;
	s12 =	simm.s32 $0x1  }
.LBB2_1:
0x1f: {  	[dreg:$0x11] =	wrdreg s11  }
0x20: {  	s8 =	rddreg [dreg:$0x6]  }
0x21: {  	[tilespmem:s3], [sflag:$0x3] =	stream.linear.gather [hbm4b:s8+s3], $0x28, $0x38;
	[tilespmem:$0x1ED00] =	vst v63  }
0x22: {  	_ =	swait.ge [sflag:s26], $0x28  }
0x23: {  	[sflag:s26] =	ssyncset.done $0x0  }
0x24: {  	s24 =	rddreg [dreg:$0x7];
	[sflag:s26] =	ssyncadd.s32 $0xFFFFFFD8  }
0x25: {  	[tilespmem:s28], [sflag:$0x3] =	stream.linear.gather [hbm4b:s24+s3], $0x28, $0x38;
	[tilespmem:$0x1ED00] =	vst v63  }
0x26: {  	_ =	swait.ge [sflag:s26], $0x28  }
0x27: {  	[sflag:s26] =	ssyncset.done $0x0  }
0x28: {  	s30 =	simm.s32 $0x100;
	[sflag:s26] =	ssyncadd.s32 $0xFFFFFFD8  }
0x29: {  	[tilespmem:s30], [sflag:$0x1] =	stream.indirect.gather [hbm4b:s5+s29], $0x80, s3, s29, $0xb8;
	[tilespmem:$0x1ED00] =	vst v63  }
0x2a: {  	s24 =	simm.s32 $0x0  }
0x2b: {  	[tilespmem:s31], [sflag:$0x1] =	stream.indirect.gather [hbm4b:s5+s29], $0x80, s28, s29, $0xb8;
	[tilespmem:$0x1ED00] =	vst v63  }
.LBB2_2:
0x2c: {  	s22 =	smul.u32 $0x50, s24;
	_ =	sdelay $0x1  }
0x2d: {  	s23 =	sadd.s32 s22, s13  }
0x2e: {  	s8 =	sshrl.u32 s23, $0x3  }
0x2f: {  	s30 =	simm.s32 $0x0;
	s11 =	sadd.s32 s6, s8  }
0x30: {  	[tilespmem:s0], [sflag:$0x3] =	stream.linear.gather [hbm4b:s11+s30], $0x28, $0x38;
	[tilespmem:$0x1ED00] =	vst v63  }
0x31: {  	_ =	swait.ge [sflag:s26], $0x28  }
0x32: {  	[sflag:s26] =	ssyncset.done $0x0  }
0x33: {  	s8 =	sadd.s32 s7, s8;
	[sflag:s26] =	ssyncadd.s32 $0xFFFFFFD8  }
0x34: {  	[tilespmem:s4], [sflag:$0x3] =	stream.linear.gather [hbm4b:s8+s30], $0x28, $0x38;
	[tilespmem:$0x1ED00] =	vst v63  }
0x35: {  	_ =	swait.ge [sflag:s26], $0x28  }
0x36: {  	[sflag:s26] =	ssyncset.done $0x0  }
0x37: {  	s11 =	simm.s32 $0x2A00;
	[sflag:s26] =	ssyncadd.s32 $0xFFFFFFD8  }
0x38: {  	[tilespmem:s11], [sflag:$0x2] =	stream.indirect.gather [hbm4b:s5+s29], $0x80, s0, s29, $0xb8;
	[tilespmem:$0x1ED00] =	vst v63  }
0x39: {  	s11 =	simm.s32 $0x3E00  }
0x3a: {  	[tilespmem:s11], [sflag:$0x2] =	stream.indirect.gather [hbm4b:s5+s29], $0x80, s4, s29, $0xb8;
	[tilespmem:$0x1ED00] =	vst v63  }
0x3b: {  	_ =	swait.ge [sflag:s12], $0x1400  }
0x3c: {  	[sflag:s12] =	ssyncset.done $0x0  }
0x3d: {  	[sflag:s12] =	ssyncadd.s32 $0xFFFFEC00  }
0x3e: {  	_ =	swait.ge [sflag:s12], $0x1400  }
0x3f: {  	[sflag:s12] =	ssyncset.done $0x0  }
0x40: {  	s8 =	simm.s32 $0x0;
	[sflag:s12] =	ssyncadd.s32 $0xFFFFEC00  }
0x41: {  	v0 =	vld [tilespmem:s8+$0x130]  }
0x42: {  	v1 =	vld [tilespmem:s8+$0x170]  }
0x43: {  	v2 =	vld [tilespmem:s8+$0x1530]  }
0x44: {  	v3 =	vld [tilespmem:s8+$0x1570]  }
0x45: {  	v4 =	vld [tilespmem:s8+$0x100]  }
0x46: {  	v5 =	vld [tilespmem:s8+$0x140]  }
0x47: {  	v6 =	vld [tilespmem:s8+$0x1500]  }
0x48: {  	v7 =	vld [tilespmem:s8+$0x1540]  }
0x49: {  	v8 =	vld [tilespmem:s8+$0x110]  }
0x4a: {  	v9 =	vld [tilespmem:s8+$0x1510];
	v0 =	vadd.f32 v3, v0;
	v1 =	vadd.f32 v2, v1  }
0x4b: {  	v10 =	vld [tilespmem:s8+$0x1550]  }
0x4c: {  	v2 =	vld [tilespmem:s8+$0x150];
	v6 =	vadd.f32 v6, v5;
	v0 =	vmax.f32 v0, $0.0e+00;
	v1 =	vmax.f32 v1, $0.0e+00  }
0x4d: {  	v3 =	vld [tilespmem:s8+$0x160];
	v4 =	vadd.f32 v7, v4;
	v1 =	vadd.f32 v0, v1  }
0x4e: {  	v5 =	vld [tilespmem:s8+$0x1520]  }
0x4f: {  	v4 =	vmax.f32 v4, $0.0e+00;
	v0 =	vld [tilespmem:s8+$0x120];
	[tilespmem:s8+$0x5230] =	vst v1;
	v1 =	vmax.f32 v6, $0.0e+00  }
0x50: {  	s11 =	simm.s32 $0x80;
	v6 =	vld [tilespmem:s8+$0x1560];
	v4 =	vadd.f32 v4, v1  }
0x51: {  	v8 =	vadd.f32 v10, v8;
	v7 =	vadd.f32 v9, v2;
	v1 =	vld [tilespmem:s11+$0x130]  }
0x52: {  	v2 =	vld [tilespmem:s11+$0x170];
	[tilespmem:s8+$0x5200] =	vst v4  }
0x53: {  	s30 =	simm.s32 $0x400;
	v8 =	vmax.f32 v8, $0.0e+00;
	v7 =	vmax.f32 v7, $0.0e+00;
	v4 =	vld [tilespmem:s11+$0x1530]  }
.LBB2_3:
0x54: {  	p0 =	sne.s32 s30, $0x4E00;
	v9 =	vld [tilespmem:s11+$0x1570];
	v7 =	vadd.f32 v8, v7;
	v3 =	vadd.f32 v5, v3  }
0x55: {  	v5 =	vld [tilespmem:s11+$0x100];
	v0 =	vadd.f32 v6, v0  }
0x56: {  	v6 =	vld [tilespmem:s11+$0x140];
	[tilespmem:s8+$0x5210] =	vst v7;
	v3 =	vmax.f32 v3, $0.0e+00  }
0x57: {  	v7 =	vld [tilespmem:s11+$0x1500];
	v0 =	vmax.f32 v0, $0.0e+00  }
0x58: {  	v8 =	vld [tilespmem:s11+$0x1540];
	v0 =	vadd.f32 v0, v3  }
0x59: {  	v2 =	vadd.f32 v4, v2;
	v10 =	vld [tilespmem:s11+$0x110];
	v1 =	vadd.f32 v9, v1  }
0x5a: {  	v4 =	vld [tilespmem:s11+$0x150];
	[tilespmem:s8+$0x5220] =	vst v0;
	s8 =	smov.u32 s11  }
0x5b: {  	v9 =	vld [tilespmem:s8+$0x1510];
	v0 =	vmax.f32 v1, $0.0e+00;
	v1 =	vmax.f32 v2, $0.0e+00  }
0x5c: {  	v2 =	vadd.f32 v7, v6;
	v7 =	vld [tilespmem:s8+$0x1550];
	v1 =	vadd.f32 v0, v1  }
0x5d: {  	v5 =	vadd.f32 v8, v5;
	v0 =	vld [tilespmem:s8+$0x120]  }
0x5e: {  	v2 =	vmax.f32 v2, $0.0e+00;
	v3 =	vld [tilespmem:s8+$0x160];
	[tilespmem:s8+$0x5230] =	vst v1  }
.Ltmp0:
0x5f: {  	v1 =	vmax.f32 v5, $0.0e+00;
	v5 =	vld [tilespmem:s8+$0x1520];
	(pc) =	sbr.rel @p0 .LBB2_3-.Ltmp0, $4  }
0x60: {  	s11 =	sshra.s32 s30, $0x2;
	v8 =	vadd.f32 v1, v2;
	v4 =	vadd.f32 v9, v4;
	v6 =	vld [tilespmem:s8+$0x1560]  }
0x61: {  	v1 =	vld [tilespmem:s11+$0x130];
	v9 =	vadd.f32 v7, v10  }
0x62: {  	v2 =	vld [tilespmem:s11+$0x170];
	[tilespmem:s8+$0x5200] =	vst v8;
	v7 =	vmax.f32 v4, $0.0e+00  }
0x63: {  	s30 =	sadd.s32 $0x200, s30;
	v4 =	vld [tilespmem:s11+$0x1530];
	v8 =	vmax.f32 v9, $0.0e+00  }
0x64: {  	v9 =	vld [tilespmem:s11+$0x1570];
	v7 =	vadd.f32 v8, v7  }
0x65: {  	v8 =	vld [tilespmem:s11+$0x100];
	v3 =	vadd.f32 v5, v3;
	v0 =	vadd.f32 v6, v0  }
0x66: {  	v10 =	vld [tilespmem:s11+$0x140];
	[tilespmem:s8+$0x5210] =	vst v7  }
0x67: {  	v3 =	vmax.f32 v3, $0.0e+00;
	v5 =	vld [tilespmem:s11+$0x1500];
	v0 =	vmax.f32 v0, $0.0e+00  }
0x68: {  	v6 =	vld [tilespmem:s11+$0x1540];
	v0 =	vadd.f32 v0, v3  }
0x69: {  	v7 =	vld [tilespmem:s11+$0x150]  }
0x6a: {  	v3 =	vld [tilespmem:s11+$0x110];
	[tilespmem:s8+$0x5220] =	vst v0  }
0x6b: {  	v2 =	vadd.f32 v4, v2;
	v1 =	vadd.f32 v9, v1;
	v0 =	vld [tilespmem:s11+$0x1510]  }
0x6c: {  	v4 =	vld [tilespmem:s11+$0x1550]  }
0x6d: {  	v2 =	vmax.f32 v2, $0.0e+00;
	v1 =	vmax.f32 v1, $0.0e+00;
	v9 =	vld [tilespmem:s11+$0x160]  }
0x6e: {  	v11 =	vld [tilespmem:s11+$0x1560];
	v1 =	vadd.f32 v1, v2  }
0x6f: {  	v2 =	vld [tilespmem:s11+$0x120]  }
0x70: {  	[tilespmem:s11+$0x5230] =	vst v1;
	v1 =	vld [tilespmem:s11+$0x1520];
	_ =	sdelay $0x1  }
0x71: {  	v5 =	vadd.f32 v5, v10  }
0x72: {  	v6 =	vadd.f32 v6, v8  }
0x73: {  	v5 =	vmax.f32 v5, $0.0e+00;
	v0 =	vadd.f32 v0, v7;
	v3 =	vadd.f32 v4, v3  }
0x74: {  	v4 =	vmax.f32 v6, $0.0e+00;
	v2 =	vadd.f32 v11, v2;
	v1 =	vadd.f32 v1, v9  }
0x75: {  	v4 =	vadd.f32 v4, v5;
	v0 =	vmax.f32 v0, $0.0e+00;
	v3 =	vmax.f32 v3, $0.0e+00  }
0x76: {  	v0 =	vadd.f32 v3, v0;
	v2 =	vmax.f32 v2, $0.0e+00;
	v1 =	vmax.f32 v1, $0.0e+00  }
0x77: {  	s30 =	sadd.s32 s9, s22;
	[tilespmem:s11+$0x5200] =	vst v4;
	v1 =	vadd.f32 v2, v1  }
0x78: {  	s8 =	sshll.u32 s30, $0x4;
	[tilespmem:s11+$0x5210] =	vst v0  }
0x79: {  	s8 =	sadd.s32 s10, s8;
	[tilespmem:s11+$0x5220] =	vst v1;
	s11 =	simm.s32 $0x0  }
0x7a: {  	[hbm4b:s8+s11] =	stream.linear.scatter [tilespmem:s15], [sflag:$0x3], $0x1400, $0x38;
	[tilespmem:$0x1ED00] =	vst v63  }
0x7b: {  	s22 =	sadd.s32 s22, s14;
	_ =	swait.ge [sflag:s26], $0x1400  }
0x7c: {  	s8 =	sshrl.u32 s22, $0x3;
	[sflag:s26] =	ssyncset.done $0x0  }
0x7d: {  	s30 =	sadd.s32 s6, s8;
	[sflag:s26] =	ssyncadd.s32 $0xFFFFEC00  }
0x7e: {  	[tilespmem:s11], [sflag:$0x3] =	stream.linear.gather [hbm4b:s30+s11], $0x28, $0x38;
	[tilespmem:$0x1ED00] =	vst v63  }
0x7f: {  	_ =	swait.ge [sflag:s26], $0x28  }
0x80: {  	[sflag:s26] =	ssyncset.done $0x0  }
0x81: {  	s8 =	sadd.s32 s7, s8;
	[sflag:s26] =	ssyncadd.s32 $0xFFFFFFD8  }
0x82: {  	[tilespmem:s28], [sflag:$0x3] =	stream.linear.gather [hbm4b:s8+s11], $0x28, $0x38;
	[tilespmem:$0x1ED00] =	vst v63  }
0x83: {  	_ =	swait.ge [sflag:s26], $0x28  }
0x84: {  	[sflag:s26] =	ssyncset.done $0x0  }
0x85: {  	s30 =	simm.s32 $0x100;
	[sflag:s26] =	ssyncadd.s32 $0xFFFFFFD8  }
0x86: {  	[tilespmem:s30], [sflag:$0x1] =	stream.indirect.gather [hbm4b:s5+s29], $0x80, s11, s29, $0xb8;
	[tilespmem:$0x1ED00] =	vst v63  }
0x87: {  	_ = 	snop  }
0x88: {  	[tilespmem:s31], [sflag:$0x1] =	stream.indirect.gather [hbm4b:s5+s29], $0x80, s28, s29, $0xb8;
	[tilespmem:$0x1ED00] =	vst v63  }
0x89: {  	_ =	swait.ge [sflag:s16], $0x1400  }
0x8a: {  	[sflag:s16] =	ssyncset.done $0x0  }
0x8b: {  	[sflag:s16] =	ssyncadd.s32 $0xFFFFEC00  }
0x8c: {  	_ =	swait.ge [sflag:s16], $0x1400  }
0x8d: {  	[sflag:s16] =	ssyncset.done $0x0  }
0x8e: {  	s8 =	simm.s32 $0x0;
	[sflag:s16] =	ssyncadd.s32 $0xFFFFEC00  }
0x8f: {  	v0 =	vld [tilespmem:s8+$0x2A30]  }
0x90: {  	v1 =	vld [tilespmem:s8+$0x2A70]  }
0x91: {  	v2 =	vld [tilespmem:s8+$0x3E30]  }
0x92: {  	v3 =	vld [tilespmem:s8+$0x3E70]  }
0x93: {  	v4 =	vld [tilespmem:s8+$0x2A00]  }
0x94: {  	v5 =	vld [tilespmem:s8+$0x2A40]  }
0x95: {  	v6 =	vld [tilespmem:s8+$0x3E00]  }
0x96: {  	v7 =	vld [tilespmem:s8+$0x3E40]  }
0x97: {  	v8 =	vld [tilespmem:s8+$0x2A10]  }
0x98: {  	v9 =	vld [tilespmem:s8+$0x3E10];
	v0 =	vadd.f32 v3, v0;
	v1 =	vadd.f32 v2, v1  }
0x99: {  	v10 =	vld [tilespmem:s8+$0x3E50]  }
0x9a: {  	v2 =	vld [tilespmem:s8+$0x2A50];
	v6 =	vadd.f32 v6, v5;
	v0 =	vmax.f32 v0, $0.0e+00;
	v1 =	vmax.f32 v1, $0.0e+00  }
0x9b: {  	v3 =	vld [tilespmem:s8+$0x2A60];
	v4 =	vadd.f32 v7, v4;
	v1 =	vadd.f32 v0, v1  }
0x9c: {  	v5 =	vld [tilespmem:s8+$0x3E20]  }
0x9d: {  	v4 =	vmax.f32 v4, $0.0e+00;
	v0 =	vld [tilespmem:s8+$0x2A20];
	[tilespmem:s8+$0x5230] =	vst v1;
	v1 =	vmax.f32 v6, $0.0e+00  }
0x9e: {  	s11 =	simm.s32 $0x80;
	v6 =	vld [tilespmem:s8+$0x3E60];
	v4 =	vadd.f32 v4, v1  }
0x9f: {  	v8 =	vadd.f32 v10, v8;
	v7 =	vadd.f32 v9, v2;
	v1 =	vld [tilespmem:s11+$0x2A30]  }
0xa0: {  	v2 =	vld [tilespmem:s11+$0x2A70];
	[tilespmem:s8+$0x5200] =	vst v4  }
0xa1: {  	s22 =	simm.s32 $0x400;
	v8 =	vmax.f32 v8, $0.0e+00;
	v7 =	vmax.f32 v7, $0.0e+00;
	v4 =	vld [tilespmem:s11+$0x3E30]  }
.LBB2_5:
0xa2: {  	p0 =	sne.s32 s22, $0x4E00;
	v9 =	vld [tilespmem:s11+$0x3E70];
	v7 =	vadd.f32 v8, v7;
	v3 =	vadd.f32 v5, v3  }
0xa3: {  	v5 =	vld [tilespmem:s11+$0x2A00];
	v0 =	vadd.f32 v6, v0  }
0xa4: {  	v6 =	vld [tilespmem:s11+$0x2A40];
	[tilespmem:s8+$0x5210] =	vst v7;
	v3 =	vmax.f32 v3, $0.0e+00  }
0xa5: {  	v7 =	vld [tilespmem:s11+$0x3E00];
	v0 =	vmax.f32 v0, $0.0e+00  }
0xa6: {  	v8 =	vld [tilespmem:s11+$0x3E40];
	v0 =	vadd.f32 v0, v3  }
0xa7: {  	v2 =	vadd.f32 v4, v2;
	v10 =	vld [tilespmem:s11+$0x2A10];
	v1 =	vadd.f32 v9, v1  }
0xa8: {  	v4 =	vld [tilespmem:s11+$0x2A50];
	[tilespmem:s8+$0x5220] =	vst v0;
	s8 =	smov.u32 s11  }
0xa9: {  	v9 =	vld [tilespmem:s8+$0x3E10];
	v0 =	vmax.f32 v1, $0.0e+00;
	v1 =	vmax.f32 v2, $0.0e+00  }
0xaa: {  	v2 =	vadd.f32 v7, v6;
	v7 =	vld [tilespmem:s8+$0x3E50];
	v1 =	vadd.f32 v0, v1  }
0xab: {  	v5 =	vadd.f32 v8, v5;
	v0 =	vld [tilespmem:s8+$0x2A20]  }
0xac: {  	v2 =	vmax.f32 v2, $0.0e+00;
	v3 =	vld [tilespmem:s8+$0x2A60];
	[tilespmem:s8+$0x5230] =	vst v1  }
.Ltmp1:
0xad: {  	v1 =	vmax.f32 v5, $0.0e+00;
	v5 =	vld [tilespmem:s8+$0x3E20];
	(pc) =	sbr.rel @p0 .LBB2_5-.Ltmp1, $4  }
0xae: {  	s11 =	sshra.s32 s22, $0x2;
	v8 =	vadd.f32 v1, v2;
	v4 =	vadd.f32 v9, v4;
	v6 =	vld [tilespmem:s8+$0x3E60]  }
0xaf: {  	v1 =	vld [tilespmem:s11+$0x2A30];
	v9 =	vadd.f32 v7, v10  }
0xb0: {  	v2 =	vld [tilespmem:s11+$0x2A70];
	[tilespmem:s8+$0x5200] =	vst v8;
	v7 =	vmax.f32 v4, $0.0e+00  }
0xb1: {  	s22 =	sadd.s32 $0x200, s22;
	v4 =	vld [tilespmem:s11+$0x3E30];
	v8 =	vmax.f32 v9, $0.0e+00  }
0xb2: {  	v9 =	vld [tilespmem:s11+$0x3E70];
	v7 =	vadd.f32 v8, v7  }
0xb3: {  	v55 =	vld [tilespmem:s11+$0x2A00];
	v3 =	vadd.f32 v5, v3;
	v0 =	vadd.f32 v6, v0  }
0xb4: {  	v10 =	vld [tilespmem:s11+$0x2A40];
	[tilespmem:s8+$0x5210] =	vst v7  }
0xb5: {  	v3 =	vmax.f32 v3, $0.0e+00;
	v56 =	vld [tilespmem:s11+$0x3E00];
	v0 =	vmax.f32 v0, $0.0e+00  }
0xb6: {  	v57 =	vld [tilespmem:s11+$0x3E40];
	v0 =	vadd.f32 v0, v3  }
0xb7: {  	v58 =	vld [tilespmem:s11+$0x2A10]  }
0xb8: {  	v7 =	vld [tilespmem:s11+$0x2A50];
	[tilespmem:s8+$0x5220] =	vst v0  }
0xb9: {  	v0 =	vld [tilespmem:s11+$0x3E10]  }
0xba: {  	v59 =	vld [tilespmem:s11+$0x3E50]  }
0xbb: {  	v60 =	vld [tilespmem:s11+$0x2A20]  }
0xbc: {  	v61 =	vld [tilespmem:s11+$0x2A60]  }
0xbd: {  	v62 =	vld [tilespmem:s11+$0x3E20]  }
0xbe: {  	v2 =	vadd.f32 v4, v2;
	v1 =	vadd.f32 v9, v1;
	v11 =	vld [tilespmem:s11+$0x3E60];
	_ =	sdelay $0x1  }
0xbf: {  	v2 =	vmax.f32 v2, $0.0e+00;
	v1 =	vmax.f32 v1, $0.0e+00;
	v5 =	vadd.f32 v56, v10  }
0xc0: {  	v1 =	vadd.f32 v1, v2;
	v6 =	vadd.f32 v57, v55  }
0xc1: {  	v5 =	vmax.f32 v5, $0.0e+00;
	v0 =	vadd.f32 v0, v7;
	v3 =	vadd.f32 v59, v58  }
0xc2: {  	[tilespmem:s11+$0x5230] =	vst v1;
	v63 =	vmax.f32 v6, $0.0e+00;
	v1 =	vadd.f32 v62, v61;
	v2 =	vadd.f32 v11, v60  }
0xc3: {  	v4 =	vadd.f32 v63, v5;
	v0 =	vmax.f32 v0, $0.0e+00;
	v3 =	vmax.f32 v3, $0.0e+00  }
0xc4: {  	v1 =	vmax.f32 v1, $0.0e+00;
	v2 =	vmax.f32 v2, $0.0e+00;
	v0 =	vadd.f32 v3, v0  }
0xc5: {  	s24 =	sadd.s32 $0x1, s24;
	[tilespmem:s11+$0x5200] =	vst v4;
	v1 =	vadd.f32 v2, v1  }
0xc6: {  	s30 =	sshll.u32 s23, $0x4;
	p0 =	sne.s32 s24, $0x138;
	[tilespmem:s11+$0x5210] =	vst v0  }
.Ltmp2:
0xc7: {  	s8 =	sadd.s32 s10, s30;
	[tilespmem:s11+$0x5220] =	vst v1;
	(pc) =	sbr.rel @p0 .LBB2_2-.Ltmp2, $4  }
0xc8: {  	[hbm4b:s8+s3] =	stream.linear.scatter [tilespmem:s15], [sflag:$0x3], $0x1400, $0x38;
	[tilespmem:$0x1ED00] =	vst v63  }
0xc9: {  	_ =	swait.ge [sflag:s26], $0x1400  }
0xca: {  	[sflag:s26] =	ssyncset.done $0x0  }
0xcb: {  	[sflag:s26] =	ssyncadd.s32 $0xFFFFEC00  }
0xcc: {  	_ =	swait.ge [sflag:s12], $0x1400  }
0xcd: {  	[sflag:s12] =	ssyncset.done $0x0  }
0xce: {  	[sflag:s12] =	ssyncadd.s32 $0xFFFFEC00  }
0xcf: {  	_ =	swait.ge [sflag:s12], $0x1400  }
0xd0: {  	[sflag:s12] =	ssyncset.done $0x0  }
0xd1: {  	s8 =	simm.s32 $0x0;
	[sflag:s12] =	ssyncadd.s32 $0xFFFFEC00  }
0xd2: {  	v0 =	vld [tilespmem:s8+$0x130]  }
0xd3: {  	v1 =	vld [tilespmem:s8+$0x170]  }
0xd4: {  	v2 =	vld [tilespmem:s8+$0x1530]  }
0xd5: {  	v3 =	vld [tilespmem:s8+$0x1570]  }
0xd6: {  	v4 =	vld [tilespmem:s8+$0x100]  }
0xd7: {  	v5 =	vld [tilespmem:s8+$0x140]  }
0xd8: {  	v6 =	vld [tilespmem:s8+$0x1500]  }
0xd9: {  	v7 =	vld [tilespmem:s8+$0x1540]  }
0xda: {  	v8 =	vld [tilespmem:s8+$0x110]  }
0xdb: {  	v9 =	vld [tilespmem:s8+$0x1510];
	v0 =	vadd.f32 v3, v0;
	v1 =	vadd.f32 v2, v1  }
0xdc: {  	v10 =	vld [tilespmem:s8+$0x1550]  }
0xdd: {  	v2 =	vld [tilespmem:s8+$0x150];
	v6 =	vadd.f32 v6, v5;
	v0 =	vmax.f32 v0, $0.0e+00;
	v1 =	vmax.f32 v1, $0.0e+00  }
0xde: {  	v3 =	vld [tilespmem:s8+$0x160];
	v4 =	vadd.f32 v7, v4;
	v1 =	vadd.f32 v0, v1  }
0xdf: {  	v5 =	vld [tilespmem:s8+$0x1520]  }
0xe0: {  	v4 =	vmax.f32 v4, $0.0e+00;
	v0 =	vld [tilespmem:s8+$0x120];
	[tilespmem:s8+$0x5230] =	vst v1;
	v1 =	vmax.f32 v6, $0.0e+00  }
0xe1: {  	s11 =	simm.s32 $0x80;
	v6 =	vld [tilespmem:s8+$0x1560];
	v4 =	vadd.f32 v4, v1  }
0xe2: {  	v8 =	vadd.f32 v10, v8;
	v7 =	vadd.f32 v9, v2;
	v1 =	vld [tilespmem:s11+$0x130]  }
0xe3: {  	v2 =	vld [tilespmem:s11+$0x170];
	[tilespmem:s8+$0x5200] =	vst v4  }
0xe4: {  	s22 =	simm.s32 $0x400;
	v8 =	vmax.f32 v8, $0.0e+00;
	v7 =	vmax.f32 v7, $0.0e+00;
	v4 =	vld [tilespmem:s11+$0x1530]  }
.LBB2_8:
0xe5: {  	p0 =	sne.s32 s22, $0x4E00;
	v9 =	vld [tilespmem:s11+$0x1570];
	v7 =	vadd.f32 v8, v7;
	v3 =	vadd.f32 v5, v3  }
0xe6: {  	v5 =	vld [tilespmem:s11+$0x100];
	v0 =	vadd.f32 v6, v0  }
0xe7: {  	v6 =	vld [tilespmem:s11+$0x140];
	[tilespmem:s8+$0x5210] =	vst v7;
	v3 =	vmax.f32 v3, $0.0e+00  }
0xe8: {  	v7 =	vld [tilespmem:s11+$0x1500];
	v0 =	vmax.f32 v0, $0.0e+00  }
0xe9: {  	v8 =	vld [tilespmem:s11+$0x1540];
	v0 =	vadd.f32 v0, v3  }
0xea: {  	v2 =	vadd.f32 v4, v2;
	v10 =	vld [tilespmem:s11+$0x110];
	v1 =	vadd.f32 v9, v1  }
0xeb: {  	v4 =	vld [tilespmem:s11+$0x150];
	[tilespmem:s8+$0x5220] =	vst v0;
	s8 =	smov.u32 s11  }
0xec: {  	v9 =	vld [tilespmem:s8+$0x1510];
	v0 =	vmax.f32 v1, $0.0e+00;
	v1 =	vmax.f32 v2, $0.0e+00  }
0xed: {  	v2 =	vadd.f32 v7, v6;
	v7 =	vld [tilespmem:s8+$0x1550];
	v1 =	vadd.f32 v0, v1  }
0xee: {  	v5 =	vadd.f32 v8, v5;
	v0 =	vld [tilespmem:s8+$0x120]  }
0xef: {  	v2 =	vmax.f32 v2, $0.0e+00;
	v3 =	vld [tilespmem:s8+$0x160];
	[tilespmem:s8+$0x5230] =	vst v1  }
.Ltmp3:
0xf0: {  	v1 =	vmax.f32 v5, $0.0e+00;
	v5 =	vld [tilespmem:s8+$0x1520];
	(pc) =	sbr.rel @p0 .LBB2_8-.Ltmp3, $4  }
0xf1: {  	s11 =	sshra.s32 s22, $0x2;
	v8 =	vadd.f32 v1, v2;
	v4 =	vadd.f32 v9, v4;
	v6 =	vld [tilespmem:s8+$0x1560]  }
0xf2: {  	v1 =	vld [tilespmem:s11+$0x130];
	v9 =	vadd.f32 v7, v10  }
0xf3: {  	v2 =	vld [tilespmem:s11+$0x170];
	[tilespmem:s8+$0x5200] =	vst v8;
	v7 =	vmax.f32 v4, $0.0e+00  }
0xf4: {  	s22 =	sadd.s32 $0x200, s22;
	v4 =	vld [tilespmem:s11+$0x1530];
	v8 =	vmax.f32 v9, $0.0e+00  }
0xf5: {  	v9 =	vld [tilespmem:s11+$0x1570];
	v7 =	vadd.f32 v8, v7  }
0xf6: {  	v55 =	vld [tilespmem:s11+$0x100];
	v3 =	vadd.f32 v5, v3;
	v0 =	vadd.f32 v6, v0  }
0xf7: {  	v10 =	vld [tilespmem:s11+$0x140];
	[tilespmem:s8+$0x5210] =	vst v7  }
0xf8: {  	v3 =	vmax.f32 v3, $0.0e+00;
	v56 =	vld [tilespmem:s11+$0x1500];
	v0 =	vmax.f32 v0, $0.0e+00  }
0xf9: {  	v57 =	vld [tilespmem:s11+$0x1540];
	v0 =	vadd.f32 v0, v3  }
0xfa: {  	v58 =	vld [tilespmem:s11+$0x110]  }
0xfb: {  	v7 =	vld [tilespmem:s11+$0x150];
	[tilespmem:s8+$0x5220] =	vst v0  }
0xfc: {  	v0 =	vld [tilespmem:s11+$0x1510]  }
0xfd: {  	v59 =	vld [tilespmem:s11+$0x1550]  }
0xfe: {  	v60 =	vld [tilespmem:s11+$0x120]  }
0xff: {  	v61 =	vld [tilespmem:s11+$0x160]  }
0x100: {  	v62 =	vld [tilespmem:s11+$0x1520]  }
0x101: {  	v2 =	vadd.f32 v4, v2;
	v1 =	vadd.f32 v9, v1;
	v11 =	vld [tilespmem:s11+$0x1560];
	_ =	sdelay $0x1  }
0x102: {  	v2 =	vmax.f32 v2, $0.0e+00;
	v1 =	vmax.f32 v1, $0.0e+00;
	v5 =	vadd.f32 v56, v10  }
0x103: {  	v1 =	vadd.f32 v1, v2;
	v6 =	vadd.f32 v57, v55  }
0x104: {  	v5 =	vmax.f32 v5, $0.0e+00;
	v0 =	vadd.f32 v0, v7;
	v3 =	vadd.f32 v59, v58  }
0x105: {  	[tilespmem:s11+$0x5230] =	vst v1;
	v63 =	vmax.f32 v6, $0.0e+00;
	v1 =	vadd.f32 v62, v61;
	v2 =	vadd.f32 v11, v60  }
0x106: {  	v4 =	vadd.f32 v63, v5;
	v0 =	vmax.f32 v0, $0.0e+00;
	v3 =	vmax.f32 v3, $0.0e+00  }
0x107: {  	v1 =	vmax.f32 v1, $0.0e+00;
	v2 =	vmax.f32 v2, $0.0e+00;
	v0 =	vadd.f32 v3, v0  }
0x108: {  	[tilespmem:s11+$0x5200] =	vst v4;
	v1 =	vadd.f32 v2, v1  }
0x109: {  	[tilespmem:s11+$0x5210] =	vst v0  }
0x10a: {  	s22 =	simm.s32 $0x0;
	s23 =	rddreg [dreg:$0x8];
	[tilespmem:s11+$0x5220] =	vst v1  }
0x10b: {  	[hbm4b:s23+s22] =	stream.linear.scatter [tilespmem:s15], [sflag:$0x3], $0x1400, $0x38;
	[tilespmem:$0x1ED00] =	vst v63  }
0x10c: {  	_ =	swait.ge [sflag:s26], $0x1400  }
0x10d: {  	[sflag:s26] =	ssyncset.done $0x0  }
0x10e: {  	s24 =	rddreg [dreg:$0x5];
	[sflag:s26] =	ssyncadd.s32 $0xFFFFEC00  }
0x10f: {  	[tilespmem:s18], [sflag:$0x3] =	stream.linear.gather [hbm4b:s24+s22], $0x1400, $0x38;
	[tilespmem:$0x1ED00] =	vst v63  }
0x110: {  	_ =	swait.ge [sflag:s26], $0x1400  }
0x111: {  	[sflag:s26] =	ssyncset.done $0x0  }
0x112: {  	s30 =	sadd.s32 $0x0, s21;
	[sflag:s26] =	ssyncadd.s32 $0xFFFFEC00  }
0x113: {  	[tilespmem:s19], [sflag:$0x3] =	stream.linear.gather [hbm4b:s30+s3], $0x28, $0x38;
	[tilespmem:$0x1ED00] =	vst v63  }
0x114: {  	_ =	swait.ge [sflag:s26], $0x28  }
0x115: {  	[sflag:s26] =	ssyncset.done $0x0  }
0x116: {  	[sflag:s26] =	ssyncadd.s32 $0xFFFFFFD8  }
0x117: {  	[spmem:s2] =	stream.indirect.scatter [tilespmem:s18], [sflag:$0x3], $0x38, s19, s29, $0xb8;
	[tilespmem:$0x1ED00] =	vst v63  }
0x118: {  	_ =	swait.ge [sflag:s26], $0x8C0  }
0x119: {  	s8 =	simm.s32 $0x5;
	s11 =	simm.s32 $0xA;
	[sflag:s26] =	ssyncset.done $0x0  }
.LBB2_10:
0x11a: {  	s22 =	sadd.s32 s8, s21  }
0x11b: {  	[sflag:s26] =	ssyncadd.s32 $0xFFFFF740;
	s8 =	smov.u32 s11;
	s23 =	sadd.s32 $0x5, s11  }
0x11c: {  	[tilespmem:s19], [sflag:$0x3] =	stream.linear.gather [hbm4b:s22+s3], $0x28, $0x38;
	[tilespmem:$0x1ED00] =	vst v63  }
0x11d: {  	p0 =	sne.s32 s11, $0xC3;
	_ =	swait.ge [sflag:s26], $0x28  }
.Ltmp4:
0x11e: {  	[sflag:s26] =	ssyncset.done $0x0;
	(pc) =	sbr.rel @p0 .LBB2_10-.Ltmp4, $4  }
0x11f: {  	[sflag:s26] =	ssyncadd.s32 $0xFFFFFFD8  }
0x120: {  	[spmem:s2] =	stream.indirect.scatter [tilespmem:s18], [sflag:$0x3], $0x38, s19, s29, $0xb8;
	[tilespmem:$0x1ED00] =	vst v63  }
0x121: {  	_ =	swait.ge [sflag:s26], $0x8C0  }
0x122: {  	s11 =	smov.u32 s23;
	[sflag:s26] =	ssyncset.done $0x0  }
0x123: {  	s8 =	sadd.s32 s8, s21;
	[sflag:s26] =	ssyncadd.s32 $0xFFFFF740  }
0x124: {  	[tilespmem:s19], [sflag:$0x3] =	stream.linear.gather [hbm4b:s8+s3], $0x28, $0x38;
	[tilespmem:$0x1ED00] =	vst v63  }
0x125: {  	_ =	swait.ge [sflag:s26], $0x28  }
0x126: {  	[sflag:s26] =	ssyncset.done $0x0  }
0x127: {  	[sflag:s26] =	ssyncadd.s32 $0xFFFFFFD8  }
0x128: {  	[spmem:s2] =	stream.indirect.scatter [tilespmem:s18], [sflag:$0x3], $0x38, s19, s29, $0xb8;
	[tilespmem:$0x1ED00] =	vst v63  }
0x129: {  	_ =	swait.ge [sflag:s26], $0x8C0  }
0x12a: {  	[sflag:s26] =	ssyncset.done $0x0  }
0x12b: {  	[sflag:s26] =	ssyncadd.s32 $0xFFFFF740  }
0x12c: {  	[bflag:$0x0] =	sbarrier.arrive $0xFFFF  }
0x12d: {  	s30 =	simm.s32 $0x0;
	s11 =	rddreg [dreg:$0x9]  }
0x12e: {  	[tilespmem:s19], [sflag:$0x3] =	stream.linear.gather [hbm4b:s11+s30], $0x28, $0x38;
	[tilespmem:$0x1ED00] =	vst v63  }
0x12f: {  	_ =	swait.ge [sflag:s26], $0x28  }
0x130: {  	[sflag:s26] =	ssyncset.done $0x0  }
0x131: {  	s22 =	rddreg [dreg:$0xa];
	[sflag:s26] =	ssyncadd.s32 $0xFFFFFFD8  }
0x132: {  	[tilespmem:s18], [sflag:$0x1] =	stream.linear.gather [hbm4b:s22+s30], $0x1400, $0x38;
	[tilespmem:$0x1ED00] =	vst v63  }
0x133: {  	s23 =	sadd.s32 $0x0, s25  }
0x134: {  	[tilespmem:s20], [sflag:$0x3] =	stream.linear.gather [hbm4b:s23+s3], $0x28, $0x38;
	[tilespmem:$0x1ED00] =	vst v63  }
0x135: {  	_ =	swait.ge [sflag:s26], $0x28  }
0x136: {  	[sflag:s26] =	ssyncset.done $0x0;
	s11 =	rddreg [dreg:$0xf]  }
0x137: {  	[sflag:s26] =	ssyncadd.s32 $0xFFFFFFD8;
	s24 =	sadd.s32 $0xFFFFFD80, s11  }
0x138: {  	[tilespmem:s17], [sflag:$0x2] =	stream.linear.gather [hbm4b:s24+s3], $0x1400, $0x38;
	[tilespmem:$0x1ED00] =	vst v63  }
0x139: {  	_ =	swait.ge [sflag:s12], $0x1400  }
0x13a: {  	[sflag:s12] =	ssyncset.done $0x0  }
0x13b: {  	[sflag:s12] =	ssyncadd.s32 $0xFFFFEC00  }
0x13c: {  	[spmem:s2] =	stream.indirect.scatter.add.f32 [tilespmem:s18], [sflag:$0x3], $0x38, s19, s29, $0xb8;
	[tilespmem:$0x1ED00] =	vst v63  }
0x13d: {  	_ =	swait.ge [sflag:s26], $0x8C0  }
0x13e: {  	s24 =	rddreg [dreg:$0x10]  }
0x13f: {  	[sflag:s26] =	ssyncset.done $0x0;
	s30 =	sshrl.u32 s24, $0x3  }
0x140: {  	[sflag:s26] =	ssyncadd.s32 $0xFFFFF740;
	s8 =	sadd.s32 s1, s30  }
0x141: {  	[tilespmem:s19], [sflag:$0x3] =	stream.linear.gather [hbm4b:s8+s3], $0x28, $0x38;
	[tilespmem:$0x1ED00] =	vst v63  }
0x142: {  	_ =	swait.ge [sflag:s26], $0x28  }
0x143: {  	[sflag:s26] =	ssyncset.done $0x0  }
0x144: {  	[sflag:s26] =	ssyncadd.s32 $0xFFFFFFD8  }
0x145: {  	[tilespmem:s18], [sflag:$0x1] =	stream.linear.gather [hbm4b:s11+s3], $0x1400, $0x38;
	[tilespmem:$0x1ED00] =	vst v63  }
0x146: {  	_ =	swait.ge [sflag:s16], $0x1400  }
0x147: {  	[sflag:s16] =	ssyncset.done $0x0  }
0x148: {  	[sflag:s16] =	ssyncadd.s32 $0xFFFFEC00  }
0x149: {  	[spmem:s2] =	stream.indirect.scatter.add.f32 [tilespmem:s17], [sflag:$0x3], $0x38, s20, s29, $0xb8;
	[tilespmem:$0x1ED00] =	vst v63  }
0x14a: {  	s22 =	simm.s32 $0xA;
	s23 =	simm.s32 $0x14;
	_ =	swait.ge [sflag:s26], $0x8C0  }
0x14b: {  	s8 =	sadd.s32 $0x500, s11;
	s11 =	sadd.s32 $0x50, s24;
	[sflag:s26] =	ssyncset.done $0x0  }
.LBB2_12:
0x14c: {  	s24 =	sadd.s32 s22, s25  }
0x14d: {  	[sflag:s26] =	ssyncadd.s32 $0xFFFFF740;
	s22 =	smov.u32 s23;
	s30 =	sadd.s32 $0xA, s23  }
0x14e: {  	[tilespmem:s20], [sflag:$0x3] =	stream.linear.gather [hbm4b:s24+s3], $0x28, $0x38;
	[tilespmem:$0x1ED00] =	vst v63  }
0x14f: {  	p0 =	sne.s32 s23, $0x1856;
	_ =	swait.ge [sflag:s26], $0x28  }
0x150: {  	[sflag:s26] =	ssyncset.done $0x0  }
0x151: {  	s23 =	sadd.s32 $0xFFFFFD80, s8;
	[sflag:s26] =	ssyncadd.s32 $0xFFFFFFD8  }
0x152: {  	[tilespmem:s17], [sflag:$0x2] =	stream.linear.gather [hbm4b:s23+s3], $0x1400, $0x38;
	[tilespmem:$0x1ED00] =	vst v63  }
0x153: {  	_ =	swait.ge [sflag:s12], $0x1400  }
0x154: {  	[sflag:s12] =	ssyncset.done $0x0  }
0x155: {  	[sflag:s12] =	ssyncadd.s32 $0xFFFFEC00  }
0x156: {  	[spmem:s2] =	stream.indirect.scatter.add.f32 [tilespmem:s18], [sflag:$0x3], $0x38, s19, s29, $0xb8;
	[tilespmem:$0x1ED00] =	vst v63  }
0x157: {  	_ =	swait.ge [sflag:s26], $0x8C0  }
0x158: {  	s23 =	sshrl.u32 s11, $0x3;
	[sflag:s26] =	ssyncset.done $0x0  }
0x159: {  	s23 =	sadd.s32 s1, s23;
	[sflag:s26] =	ssyncadd.s32 $0xFFFFF740  }
0x15a: {  	[tilespmem:s19], [sflag:$0x3] =	stream.linear.gather [hbm4b:s23+s3], $0x28, $0x38;
	[tilespmem:$0x1ED00] =	vst v63  }
0x15b: {  	_ =	swait.ge [sflag:s26], $0x28  }
0x15c: {  	[sflag:s26] =	ssyncset.done $0x0  }
0x15d: {  	[sflag:s26] =	ssyncadd.s32 $0xFFFFFFD8  }
0x15e: {  	[tilespmem:s18], [sflag:$0x1] =	stream.linear.gather [hbm4b:s8+s3], $0x1400, $0x38;
	[tilespmem:$0x1ED00] =	vst v63  }
0x15f: {  	_ =	swait.ge [sflag:s16], $0x1400  }
.Ltmp5:
0x160: {  	[sflag:s16] =	ssyncset.done $0x0;
	(pc) =	sbr.rel @p0 .LBB2_12-.Ltmp5, $4  }
0x161: {  	[sflag:s16] =	ssyncadd.s32 $0xFFFFEC00  }
0x162: {  	[spmem:s2] =	stream.indirect.scatter.add.f32 [tilespmem:s17], [sflag:$0x3], $0x38, s20, s29, $0xb8;
	[tilespmem:$0x1ED00] =	vst v63  }
0x163: {  	s11 =	sadd.s32 $0x50, s11;
	_ =	swait.ge [sflag:s26], $0x8C0  }
0x164: {  	s23 =	smov.u32 s30;
	s8 =	sadd.s32 $0x500, s8;
	[sflag:s26] =	ssyncset.done $0x0  }
0x165: {  	s22 =	sadd.s32 s22, s25;
	[sflag:s26] =	ssyncadd.s32 $0xFFFFF740  }
0x166: {  	[tilespmem:s20], [sflag:$0x3] =	stream.linear.gather [hbm4b:s22+s3], $0x28, $0x38;
	[tilespmem:$0x1ED00] =	vst v63  }
0x167: {  	_ =	swait.ge [sflag:s26], $0x28  }
0x168: {  	[sflag:s26] =	ssyncset.done $0x0  }
0x169: {  	s24 =	sadd.s32 $0xFFFFFD80, s8;
	[sflag:s26] =	ssyncadd.s32 $0xFFFFFFD8  }
0x16a: {  	[tilespmem:s17], [sflag:$0x2] =	stream.linear.gather [hbm4b:s24+s3], $0x1400, $0x38;
	[tilespmem:$0x1ED00] =	vst v63  }
0x16b: {  	_ =	swait.ge [sflag:s12], $0x1400  }
0x16c: {  	[sflag:s12] =	ssyncset.done $0x0  }
0x16d: {  	[sflag:s12] =	ssyncadd.s32 $0xFFFFEC00  }
0x16e: {  	[spmem:s2] =	stream.indirect.scatter.add.f32 [tilespmem:s18], [sflag:$0x3], $0x38, s19, s29, $0xb8;
	[tilespmem:$0x1ED00] =	vst v63  }
0x16f: {  	_ =	swait.ge [sflag:s26], $0x8C0  }
0x170: {  	s11 =	sshrl.u32 s11, $0x3;
	[sflag:s26] =	ssyncset.done $0x0  }
0x171: {  	s11 =	sadd.s32 s1, s11;
	[sflag:s26] =	ssyncadd.s32 $0xFFFFF740  }
0x172: {  	[tilespmem:s19], [sflag:$0x3] =	stream.linear.gather [hbm4b:s11+s3], $0x28, $0x38;
	[tilespmem:$0x1ED00] =	vst v63  }
0x173: {  	_ =	swait.ge [sflag:s26], $0x28  }
0x174: {  	[sflag:s26] =	ssyncset.done $0x0  }
0x175: {  	[sflag:s26] =	ssyncadd.s32 $0xFFFFFFD8  }
0x176: {  	[tilespmem:s18], [sflag:$0x1] =	stream.linear.gather [hbm4b:s8+s3], $0x1400, $0x38;
	[tilespmem:$0x1ED00] =	vst v63  }
0x177: {  	_ =	swait.ge [sflag:s16], $0x1400  }
0x178: {  	[sflag:s16] =	ssyncset.done $0x0  }
0x179: {  	[sflag:s16] =	ssyncadd.s32 $0xFFFFEC00  }
0x17a: {  	[spmem:s2] =	stream.indirect.scatter.add.f32 [tilespmem:s17], [sflag:$0x3], $0x38, s20, s29, $0xb8;
	[tilespmem:$0x1ED00] =	vst v63  }
0x17b: {  	_ =	swait.ge [sflag:s26], $0x8C0  }
0x17c: {  	[sflag:s26] =	ssyncset.done $0x0  }
0x17d: {  	s30 =	simm.s32 $0x0;
	s22 =	rddreg [dreg:$0xd];
	[sflag:s26] =	ssyncadd.s32 $0xFFFFF740  }
0x17e: {  	[tilespmem:s20], [sflag:$0x3] =	stream.linear.gather [hbm4b:s22+s30], $0x28, $0x38;
	[tilespmem:$0x1ED00] =	vst v63  }
0x17f: {  	_ =	swait.ge [sflag:s26], $0x28  }
0x180: {  	[sflag:s26] =	ssyncset.done $0x0  }
0x181: {  	s23 =	rddreg [dreg:$0xb];
	[sflag:s26] =	ssyncadd.s32 $0xFFFFFFD8  }
0x182: {  	[tilespmem:s17], [sflag:$0x2] =	stream.linear.gather [hbm4b:s23+s30], $0x1400, $0x38;
	[tilespmem:$0x1ED00] =	vst v63  }
0x183: {  	_ =	swait.ge [sflag:s12], $0x1400  }
0x184: {  	[sflag:s12] =	ssyncset.done $0x0  }
0x185: {  	[sflag:s12] =	ssyncadd.s32 $0xFFFFEC00  }
0x186: {  	[spmem:s2] =	stream.indirect.scatter.add.f32 [tilespmem:s18], [sflag:$0x3], $0x38, s19, s29, $0xb8;
	[tilespmem:$0x1ED00] =	vst v63  }
0x187: {  	_ =	swait.ge [sflag:s26], $0x8C0  }
0x188: {  	[sflag:s26] =	ssyncset.done $0x0  }
0x189: {  	[sflag:s26] =	ssyncadd.s32 $0xFFFFF740  }
0x18a: {  	_ =	swait.ge [sflag:s16], $0x1400  }
0x18b: {  	[sflag:s16] =	ssyncset.done $0x0  }
0x18c: {  	[sflag:s16] =	ssyncadd.s32 $0xFFFFEC00  }
0x18d: {  	[spmem:s2] =	stream.indirect.scatter.add.f32 [tilespmem:s17], [sflag:$0x3], $0x38, s20, s29, $0xb8;
	[tilespmem:$0x1ED00] =	vst v63  }
0x18e: {  	_ =	swait.ge [sflag:s26], $0x8C0  }
0x18f: {  	[sflag:s26] =	ssyncset.done $0x0  }
0x190: {  	[sflag:s26] =	ssyncadd.s32 $0xFFFFF740  }
0x191: {  	s24 =	sadd.s32 $0x0, s21;
	[bflag:$0x0] =	sbarrier.arrive $0xFFFF  }
0x192: {  	[tilespmem:s19], [sflag:$0x3] =	stream.linear.gather [hbm4b:s24+s3], $0x28, $0x38;
	[tilespmem:$0x1ED00] =	vst v63  }
0x193: {  	_ =	swait.ge [sflag:s26], $0x28  }
0x194: {  	[sflag:s26] =	ssyncset.done $0x0  }
0x195: {  	[sflag:s26] =	ssyncadd.s32 $0xFFFFFFD8  }
0x196: {  	[tilespmem:s18], [sflag:$0x3] =	stream.indirect.gather [spmem:s2], $0x38, s19, s29, $0xb8;
	[tilespmem:$0x1ED00] =	vst v63  }
0x197: {  	_ =	swait.ge [sflag:s26], $0x8C0  }
0x198: {  	[sflag:s26] =	ssyncset.done $0x0  }
0x199: {  	s30 =	rddreg [dreg:$0xe];
	[sflag:s26] =	ssyncadd.s32 $0xFFFFF740  }
0x19a: {  	[hbm4b:s30+s3] =	stream.linear.scatter [tilespmem:s18], [sflag:$0x3], $0x1400, $0x38;
	[tilespmem:$0x1ED00] =	vst v63  }
0x19b: {  	s11 =	simm.s32 $0x5;
	_ =	swait.ge [sflag:s26], $0x1400  }
0x19c: {  	s22 =	simm.s32 $0xA;
	s8 =	sadd.s32 $0x280, s30;
	[sflag:s26] =	ssyncset.done $0x0  }
.LBB2_14:
0x19d: {  	s23 =	sadd.s32 s11, s21  }
0x19e: {  	[sflag:s26] =	ssyncadd.s32 $0xFFFFEC00;
	s11 =	smov.u32 s22;
	s24 =	sadd.s32 $0x5, s22  }
0x19f: {  	[tilespmem:s19], [sflag:$0x3] =	stream.linear.gather [hbm4b:s23+s3], $0x28, $0x38;
	[tilespmem:$0x1ED00] =	vst v63  }
0x1a0: {  	p0 =	sne.s32 s22, $0xC3;
	_ =	swait.ge [sflag:s26], $0x28  }
0x1a1: {  	[sflag:s26] =	ssyncset.done $0x0  }
0x1a2: {  	[sflag:s26] =	ssyncadd.s32 $0xFFFFFFD8  }
0x1a3: {  	[tilespmem:s18], [sflag:$0x3] =	stream.indirect.gather [spmem:s2], $0x38, s19, s29, $0xb8;
	[tilespmem:$0x1ED00] =	vst v63  }
0x1a4: {  	_ =	swait.ge [sflag:s26], $0x8C0  }
.Ltmp6:
0x1a5: {  	[sflag:s26] =	ssyncset.done $0x0;
	(pc) =	sbr.rel @p0 .LBB2_14-.Ltmp6, $4  }
0x1a6: {  	[sflag:s26] =	ssyncadd.s32 $0xFFFFF740  }
0x1a7: {  	[hbm4b:s8+s3] =	stream.linear.scatter [tilespmem:s18], [sflag:$0x3], $0x1400, $0x38;
	[tilespmem:$0x1ED00] =	vst v63  }
0x1a8: {  	_ =	swait.ge [sflag:s26], $0x1400  }
0x1a9: {  	s22 =	smov.u32 s24;
	s8 =	sadd.s32 $0x280, s8;
	[sflag:s26] =	ssyncset.done $0x0  }
0x1aa: {  	s11 =	sadd.s32 s11, s21;
	[sflag:s26] =	ssyncadd.s32 $0xFFFFEC00  }
0x1ab: {  	[tilespmem:s19], [sflag:$0x3] =	stream.linear.gather [hbm4b:s11+s3], $0x28, $0x38;
	[tilespmem:$0x1ED00] =	vst v63  }
0x1ac: {  	_ =	swait.ge [sflag:s26], $0x28  }
0x1ad: {  	[sflag:s26] =	ssyncset.done $0x0  }
0x1ae: {  	[sflag:s26] =	ssyncadd.s32 $0xFFFFFFD8  }
0x1af: {  	[tilespmem:s18], [sflag:$0x3] =	stream.indirect.gather [spmem:s2], $0x38, s19, s29, $0xb8;
	[tilespmem:$0x1ED00] =	vst v63  }
0x1b0: {  	_ =	swait.ge [sflag:s26], $0x8C0  }
0x1b1: {  	[sflag:s26] =	ssyncset.done $0x0  }
0x1b2: {  	[sflag:s26] =	ssyncadd.s32 $0xFFFFF740  }
0x1b3: {  	[hbm4b:s8+s3] =	stream.linear.scatter [tilespmem:s18], [sflag:$0x3], $0x1400, $0x38;
	[tilespmem:$0x1ED00] =	vst v63  }
0x1b4: {  	_ =	swait.ge [sflag:s26], $0x1400  }
0x1b5: {  	s24 =	rddreg [dreg:$0x11]  }
0x1b6: {  	s30 =	rddreg [dreg:$0xc];
	s11 =	sadd.s32 $0x1, s24  }
0x1b7: {  	p0 =	sne.s32 s11, s30  }
.Ltmp7:
0x1b8: {  	_ = 	snop;
	(pc) =	sbr.rel @p0 .LBB2_1-.Ltmp7, $3  }
0x1b9: {  	_ =	sdelay $0x1  }
0x1ba: {  	[sflag:s26] =	ssyncset.done $0x0  }
0x1bb: {  	[sflag:s26] =	ssyncadd.s32 $0xFFFFEC00  }
0x1bc: {  	_ =	sfence.sel $0x180000  }
0x1bd: {  	[bflag:$0x0] =	sbarrier.arrive $0xFFFF  }
0x1be: {  	_ =	strace $0x90000047  }
0x1bf: {  	s0 =	stileid.u32;
	[bflag:$0x2] =	sbarrier.arrive $0xFFFF  }
0x1c0: {  	p0 =	sne.s32 s0, $0x0;
	s0 =	rddreg [dreg:$0x4]  }
0x1c1: {  	s0 =	sadd.s32 @!p0 $0x100000, s0  }
0x1c2: {  	[sflag:s0] =	ssyncadd.tile.s32 @!p0 $0x1;
	_ =	shalt  }
.Lfunc_end2:
_tile_overlayer_lowered:
.L_overlay_start_2:
0x1c3: {  	(tag) =	ssettag $0x2  }
0x1c4: {  	s0 =	rddreg [dreg:$0x0];
	s2 =	stileid.u32  }
0x1c5: {  	s1 =	rddreg [dreg:$0x1];
	p0 =	sne.s32 s2, $0x0  }
0x1c6: {  	s3 =	rddreg [dreg:$0x2];
	[bflag:$0x3] =	sbarrier.arrive $0xFFFF;
	s2 =	simm.s32 @!p0 $0x1C03  }
0x1c7: {  	[timem:s3], [sflag:s2] =	dma.local @!p0 [hbm:s0], s1  }
0x1c8: {  	s0 =	simm.s32 @!p0 $0x3  }
0x1c9: {  	_ =	swait.ge @!p0 [sflag:s0], s1  }
0x1ca: {  	s1 =	ssub.s32 @!p0 $0x0, s1;
	[sflag:s0] =	ssyncset.done @!p0 $0x0  }
0x1cb: {  	[sflag:s0] =	ssyncadd.s32 @!p0 s1  }
0x1cc: {  	[bflag:$0x3] =	sbarrier.arrive $0xFFFF  }
0x1cd: {  	_ =	shalt  }

</sc_bundles>
